<compile_context>
chip_gen: v7x
topology: tpu7x:2x2x1
jax: 0.10.2.dev20260603
libtpu: 0.0.44.dev20260713+nightly
codegen_flags: <defaults>
</compile_context>

<pallas_src>
import functools

import jax
import jax.numpy as jnp
from jax import lax
from jax.experimental import pallas as pl
from jax.experimental.pallas import tpu as pltpu
from jax.experimental.pallas import tpu_sc as plsc

N = 10000
E = 320000
D = 128
H2 = 64

GROUP = 128
NG = E // GROUP
NC = 2
NS = 16
NW = NC * NS
NPAD = 10240
ROWS_PER_SUB = NPAD // NS
GPT = 80
NGPAD = NW * GPT


def _sc_mesh():
    return plsc.VectorSubcoreMesh(
        core_axis_name="c", subcore_axis_name="s",
        num_cores=NC, num_subcores=NS)


def _worker_ids():
    cid = lax.axis_index("c")
    sid = lax.axis_index("s")
    return cid, sid, sid * NC + cid


def _zero_acc(zeros_m, acc, r0):
    pltpu.sync_copy(zeros_m.at[pl.ds(r0, ROWS_PER_SUB)],
                    acc.at[pl.ds(r0, ROWS_PER_SUB)])


def _msg_pipeline(z, srcs, dsts, acc, src_v, dst_v, rows,
                  gsems, ssems, isem, wid):
    niter = (NG - wid + NW - 1) // NW

    def _fetch(i, slot):
        base = (wid + i * NW) * GROUP
        pltpu.async_copy(srcs.at[pl.ds(base, GROUP)], src_v.at[slot], isem)
        pltpu.async_copy(dsts.at[pl.ds(base, GROUP)], dst_v.at[slot], isem)
        pltpu.make_async_copy(srcs.at[pl.ds(0, GROUP)], src_v.at[slot],
                              isem).wait()
        pltpu.make_async_copy(dsts.at[pl.ds(0, GROUP)], dst_v.at[slot],
                              isem).wait()
        pltpu.async_copy(z.at[src_v.at[slot]], rows.at[slot], gsems[slot])

    def _consume(slot):
        pltpu.make_async_copy(z.at[src_v.at[slot]], rows.at[slot],
                              gsems[slot]).wait()
        pltpu.sync_copy(rows.at[slot], acc.at[dst_v.at[slot]], add=True)

    @pl.when(niter > 0)
    def _():
        _fetch(0, 0)

    def _pair(p, carry):
        i0 = 2 * p

        @pl.when(i0 + 1 < niter)
        def _():
            _fetch(i0 + 1, 1)
        _consume(0)

        @pl.when(i0 + 2 < niter)
        def _():
            _fetch(i0 + 2, 0)

        @pl.when(i0 + 1 < niter)
        def _():
            _consume(1)
        return carry

    lax.fori_loop(0, (niter + 1) // 2, _pair, 0)


def _deg_phase(dsts2d, acc, dst_buf, ones_v, ssem, g0):
    cnt = jnp.minimum(jnp.maximum(NG - g0, 0), GPT)

    def _fire(i, carry):
        pltpu.sync_copy(ones_v, acc.at[dst_buf.at[i]], add=True)
        return carry

    lax.fori_loop(0, cnt, _fire, 0)


_SC_SCRATCH = [
    pltpu.VMEM_SHARED((NPAD, D), jnp.float32),
    pltpu.VMEM((2, GROUP), jnp.int32),
    pltpu.VMEM((2, GROUP), jnp.int32),
    pltpu.VMEM((2, GROUP, D), jnp.float32),
    pltpu.SemaphoreType.DMA,
    pltpu.SemaphoreType.DMA,
    pltpu.SemaphoreType.DMA,
    pltpu.SemaphoreType.DMA,
    pltpu.SemaphoreType.DMA,
]


@functools.cache
def _sc_layer1():
    @functools.partial(
        pl.kernel,
        mesh=_sc_mesh(),
        out_type=[jax.ShapeDtypeStruct((NC, NPAD, D), jnp.float32),
                  jax.ShapeDtypeStruct((NC, NPAD, D), jnp.float32)],
        scratch_types=_SC_SCRATCH + [
            pltpu.VMEM((GPT, GROUP), jnp.int32),
        ],
    )
    def body(z, srcs, dsts, dsts2d, zeros_m, ones_m, msg_out, deg_out,
             acc, src_v, dst_v, rows, gsem0, gsem1, ssem0, ssem1, isem,
             dst_buf):
        cid, sid, wid = _worker_ids()
        r0 = sid * ROWS_PER_SUB
        g0 = wid * GPT
        _zero_acc(zeros_m, acc, r0)
        pltpu.sync_copy(ones_m, rows.at[1])
        pltpu.sync_copy(dsts2d.at[pl.ds(g0, GPT)], dst_buf)
        plsc.subcore_barrier()

        _deg_phase(dsts2d, acc, dst_buf, rows.at[1], ssem0, g0)
        plsc.subcore_barrier()

        pltpu.sync_copy(acc.at[pl.ds(r0, ROWS_PER_SUB)],
                        deg_out.at[cid, pl.ds(r0, ROWS_PER_SUB)])
        _zero_acc(zeros_m, acc, r0)
        plsc.subcore_barrier()

        _msg_pipeline(z, srcs, dsts, acc, src_v, dst_v, rows,
                      (gsem0, gsem1), (ssem0, ssem1), isem, wid)
        plsc.subcore_barrier()

        pltpu.sync_copy(acc.at[pl.ds(r0, ROWS_PER_SUB)],
                        msg_out.at[cid, pl.ds(r0, ROWS_PER_SUB)])
    return body


@functools.cache
def _sc_scatter():
    @functools.partial(
        pl.kernel,
        mesh=_sc_mesh(),
        out_type=[jax.ShapeDtypeStruct((NC, NPAD, D), jnp.float32)],
        scratch_types=list(_SC_SCRATCH),
    )
    def body(z, srcs, dsts, zeros_m, msg_out,
             acc, src_v, dst_v, rows, gsem0, gsem1, ssem0, ssem1, isem):
        cid, sid, wid = _worker_ids()
        r0 = sid * ROWS_PER_SUB
        _zero_acc(zeros_m, acc, r0)
        plsc.subcore_barrier()

        _msg_pipeline(z, srcs, dsts, acc, src_v, dst_v, rows,
                      (gsem0, gsem1), (ssem0, ssem1), isem, wid)
        plsc.subcore_barrier()

        pltpu.sync_copy(acc.at[pl.ds(r0, ROWS_PER_SUB)],
                        msg_out.at[cid, pl.ds(r0, ROWS_PER_SUB)])
    return body



def _layer(msg_ref, deg_ref, h_ref, w_ref, b_ref):
    msg = msg_ref[0, :N] + msg_ref[1, :N]
    deg = deg_ref[0, :N] + deg_ref[1, :N]
    h = h_ref[...]
    agg = jnp.where(deg > 0.0, msg / jnp.maximum(deg, 1.0), h)
    out = lax.dot_general(
        agg, w_ref[...], (((1,), (1,)), ((), ())),
        preferred_element_type=jnp.float32) + b_ref[...]
    return jnp.maximum(out, 0.0)


def _tc_mid_body(msg_ref, deg_ref, x_ref, w_ref, b_ref, o_ref):
    o_ref[...] = _layer(msg_ref, deg_ref, x_ref, w_ref, b_ref)


_tc_mid = pl.pallas_call(
    _tc_mid_body,
    out_shape=jax.ShapeDtypeStruct((N, D), jnp.float32),
)


def _tc_post_body(msg_ref, deg_ref, h1_ref, w_ref, b_ref, wr1_ref, br1_ref,
                  wr2_ref, br2_ref, o_ref):
    h = _layer(msg_ref, deg_ref, h1_ref, w_ref, b_ref)
    hg = jnp.mean(h, axis=0, keepdims=True)
    hidden = lax.dot_general(
        hg, wr1_ref[...], (((1,), (1,)), ((), ())),
        preferred_element_type=jnp.float32) + br1_ref[...]
    o_ref[0, 0] = jnp.sum(hidden * wr2_ref[...]) + br2_ref[0]


_tc_post = pl.pallas_call(
    _tc_post_body,
    in_specs=[
        pl.BlockSpec(memory_space=pltpu.VMEM),
        pl.BlockSpec(memory_space=pltpu.VMEM),
        pl.BlockSpec(memory_space=pltpu.VMEM),
        pl.BlockSpec(memory_space=pltpu.VMEM),
        pl.BlockSpec(memory_space=pltpu.VMEM),
        pl.BlockSpec(memory_space=pltpu.VMEM),
        pl.BlockSpec(memory_space=pltpu.VMEM),
        pl.BlockSpec(memory_space=pltpu.VMEM),
        pl.BlockSpec(memory_space=pltpu.SMEM),
    ],
    out_specs=pl.BlockSpec(memory_space=pltpu.SMEM),
    out_shape=jax.ShapeDtypeStruct((1, 1), jnp.float32),
)


def kernel(x, edge_index, W1, b1, W2, b2, Wr1, br1, Wr2, br2):
    src = edge_index[0]
    dst = edge_index[1]
    pad = jnp.zeros((NGPAD - NG, GROUP), jnp.int32)
    dst2d = jnp.concatenate([dst.reshape(NG, GROUP), pad], axis=0)
    zeros_m = jnp.zeros((NPAD, D), jnp.float32)
    ones_m = jnp.ones((GROUP, D), jnp.float32)

    msg1, deg = _sc_layer1()(x, src, dst, dst2d, zeros_m, ones_m)
    h1 = _tc_mid(msg1, deg, x, W1, b1.reshape(1, D))
    (msg2,) = _sc_scatter()(h1, src, dst, zeros_m)
    out = _tc_post(msg2, deg, h1, W2, b2.reshape(1, D), Wr1,
                   br1.reshape(1, H2), Wr2, br2)
    return out

# --- scband reference (transcript-rebuilt; emitter-appended) ---
"""Pipeline reference for scband-regressor-5007931867571 (READ-ONLY COPY).

The authoritative reference and input builder live on the scoring server;
editing this copy changes nothing except your own understanding.
"""

import jax, jax.numpy as jnp
import numpy as np

N = 10000
E = 320000
D = 128
H1 = 128
H2 = 64
OUT = 1


def setup_inputs(seed: int = 0) -> dict:
    key = jax.random.key(seed)
    ks = jax.random.split(key, 12)
    x = jax.random.normal(ks[0], (N, D), dtype=jnp.float32)
    edge_index = jax.random.randint(ks[1], (2, E), 0, N, dtype=jnp.int32)
    W1 = jax.random.normal(ks[2], (H1, D), dtype=jnp.float32) * (1.0 / np.sqrt(D))
    b1 = jnp.zeros((H1,), dtype=jnp.float32)
    W2 = jax.random.normal(ks[3], (H1, H1), dtype=jnp.float32) * (1.0 / np.sqrt(H1))
    b2 = jnp.zeros((H1,), dtype=jnp.float32)
    Wr1 = jax.random.normal(ks[4], (H2, H1), dtype=jnp.float32) * (1.0 / np.sqrt(H1))
    br1 = jnp.zeros((H2,), dtype=jnp.float32)
    Wr2 = jax.random.normal(ks[5], (OUT, H2), dtype=jnp.float32) * (1.0 / np.sqrt(H2))
    br2 = jnp.zeros((OUT,), dtype=jnp.float32)
    return {"x": x, "edge_index": edge_index, "W1": W1, "b1": b1, "W2": W2, "b2": b2,
            "Wr1": Wr1, "br1": br1, "Wr2": Wr2, "br2": br2}


def _gcn_layer(h, src, dst, W, b):
    n = h.shape[0]
    # copy_src message + mean reduce over mailbox (incoming edges per dst node)
    msg_sum = jax.ops.segment_sum(h[src], dst, num_segments=n)
    deg = jax.ops.segment_sum(jnp.ones((src.shape[0],), dtype=h.dtype), dst, num_segments=n)
    mean_agg = msg_sum / jnp.maximum(deg, 1.0)[:, None]
    # DGL: nodes with zero in-degree keep their old 'h'
    agg = jnp.where((deg > 0)[:, None], mean_agg, h)
    out = agg @ W.T + b
    return jax.nn.relu(out)


def reference(x, edge_index, W1, b1, W2, b2, Wr1, br1, Wr2, br2):
    src = edge_index[0]
    dst = edge_index[1]
    h = _gcn_layer(x, src, dst, W1, b1)
    h = _gcn_layer(h, src, dst, W2, b2)
    # dgl.mean_nodes over a single graph -> mean over all nodes
    hg = jnp.mean(h, axis=0, keepdims=True)
    hidden = hg @ Wr1.T + br1
    out = hidden @ Wr2.T + br2
    return out

if __name__ == "__main__":
    import jax
    _d = setup_inputs()
    print(jax.jit(kernel)(*tuple(_d.values())))

</pallas_src>

<mosaic_0001>
#map = affine_map<(d0, d1) -> (0, 0)>
#map1 = affine_map<(d0, d1) -> (0)>
#map2 = affine_map<(d0, d1) -> (0, 0, 0)>
module attributes {stable_mosaic.version = 14 : i64} {
  func.func @body(%arg0: i32, %arg1: i32, %arg2: memref<10000x128xf32, #tpu.memory_space<hbm>>, %arg3: memref<320000xi32, #tpu.memory_space<hbm>>, %arg4: memref<320000xi32, #tpu.memory_space<hbm>>, %arg5: memref<2560x128xi32, #tpu.memory_space<hbm>>, %arg6: memref<10240x128xf32, #tpu.memory_space<hbm>>, %arg7: memref<128x128xf32, #tpu.memory_space<hbm>>, %arg8: memref<2x10240x128xf32, #tpu.memory_space<hbm>>, %arg9: memref<2x10240x128xf32, #tpu.memory_space<hbm>>, %arg10: memref<10240x128xf32, #tpu.memory_space<vmem_shared>>, %arg11: memref<2x128xi32, #tpu.memory_space<vmem>>, %arg12: memref<2x128xi32, #tpu.memory_space<vmem>>, %arg13: memref<2x128x128xf32, #tpu.memory_space<vmem>>, %arg14: memref<!tpu.dma_semaphore, #tpu.memory_space<semaphore_mem>>, %arg15: memref<!tpu.dma_semaphore, #tpu.memory_space<semaphore_mem>>, %arg16: memref<!tpu.dma_semaphore, #tpu.memory_space<semaphore_mem>>, %arg17: memref<!tpu.dma_semaphore, #tpu.memory_space<semaphore_mem>>, %arg18: memref<!tpu.dma_semaphore, #tpu.memory_space<semaphore_mem>>, %arg19: memref<80x128xi32, #tpu.memory_space<vmem>>) attributes {dimension_semantics = [#tpu.dimension_semantics<core_parallel>, #tpu.dimension_semantics<subcore_parallel>], iteration_bounds = array<i64: 2, 16>, scalar_prefetch = 0 : i64, scratch_operands = 10 : i64, tpu.core_type = #tpu.core_type<sc_vector_subcore>, window_params = [{transform_indices = #map}, {transform_indices = #map1}, {transform_indices = #map1}, {transform_indices = #map}, {transform_indices = #map}, {transform_indices = #map}, {transform_indices = #map2}, {transform_indices = #map2}]} {
    %mul3A = arith.constant 2 : i32
    %mul3A_0 = arith.muli %arg1, %mul3A : i32
    %add3A = arith.addi %mul3A_0, %arg0 : i32
    %mul3A_1 = arith.constant 640 : i32
    %mul3A_2 = arith.muli %arg1, %mul3A_1 : i32
    %mul3A_3 = arith.constant 80 : i32
    %mul3A_4 = arith.muli %add3A, %mul3A_3 : i32
    "tpu.region"() ({
      %run_scoped3A_82 = tpu.sem_alloc : memref<!tpu.dma_semaphore, #tpu.memory_space<semaphore_mem>>
      %dma_start3A = arith.constant 0 : i32
      %dma_start3A_83 = tpu.memref_slice %arg10[%mul3A_2, %dma_start3A] : memref<10240x128xf32, #tpu.memory_space<vmem_shared>> -> memref<640x128xf32, #tpu.memory_space<vmem_shared>>
      %dma_start3A_84 = arith.constant 0 : i32
      %dma_start3A_85 = tpu.memref_slice %arg6[%mul3A_2, %dma_start3A_84] : memref<10240x128xf32, #tpu.memory_space<hbm>> -> memref<640x128xf32, #tpu.memory_space<hbm>>
      tpu.enqueue_dma source(%dma_start3A_85 : memref<640x128xf32, #tpu.memory_space<hbm>>) target(%dma_start3A_83 : memref<640x128xf32, #tpu.memory_space<vmem_shared>>) target_semaphore(%run_scoped3A_82 : memref<!tpu.dma_semaphore, #tpu.memory_space<semaphore_mem>>)
      %dma_wait3A = arith.constant 0 : i32
      %dma_wait3A_86 = tpu.memref_slice %arg10[%mul3A_2, %dma_wait3A] : memref<10240x128xf32, #tpu.memory_space<vmem_shared>> -> memref<640x128xf32, #tpu.memory_space<vmem_shared>>
      %dma_wait3A_87 = arith.constant 0 : i32
      %dma_wait3A_88 = tpu.memref_slice %arg6[%mul3A_2, %dma_wait3A_87] : memref<10240x128xf32, #tpu.memory_space<hbm>> -> memref<640x128xf32, #tpu.memory_space<hbm>>
      tpu.wait_dma2 semaphore(%run_scoped3A_82 : memref<!tpu.dma_semaphore, #tpu.memory_space<semaphore_mem>>) src(%dma_wait3A_88 : memref<640x128xf32, #tpu.memory_space<hbm>>) dst(%dma_wait3A_86 : memref<640x128xf32, #tpu.memory_space<vmem_shared>>)
      tpu.yield
    }) : () -> ()
    %run_scoped3A = arith.constant 1 : i32
    "tpu.region"() ({
      %run_scoped3A_82 = tpu.sem_alloc : memref<!tpu.dma_semaphore, #tpu.memory_space<semaphore_mem>>
      %dma_start3A = arith.constant 0 : i32
      %dma_start3A_83 = arith.constant 0 : i32
      %dma_start3A_84 = tpu.memref_slice %arg13[%run_scoped3A, %dma_start3A, %dma_start3A_83] : memref<2x128x128xf32, #tpu.memory_space<vmem>> -> memref<1x128x128xf32, #tpu.memory_space<vmem>>
      %dma_start3A_85 = tpu.memref_squeeze %dma_start3A_84 : memref<1x128x128xf32, #tpu.memory_space<vmem>> -> memref<128x128xf32, #tpu.memory_space<vmem>>
      %dma_start3A_86 = arith.constant 0 : i32
      %dma_start3A_87 = arith.constant 0 : i32
      %dma_start3A_88 = tpu.memref_slice %arg13[%run_scoped3A, %dma_start3A_86, %dma_start3A_87] : memref<2x128x128xf32, #tpu.memory_space<vmem>> -> memref<1x128x128xf32, #tpu.memory_space<vmem>>
      %dma_start3A_89 = tpu.memref_squeeze %dma_start3A_88 : memref<1x128x128xf32, #tpu.memory_space<vmem>> -> memref<128x128xf32, #tpu.memory_space<vmem>>
      tpu.enqueue_dma source(%arg7 : memref<128x128xf32, #tpu.memory_space<hbm>>) target(%dma_start3A_89 : memref<128x128xf32, #tpu.memory_space<vmem>>) target_semaphore(%run_scoped3A_82 : memref<!tpu.dma_semaphore, #tpu.memory_space<semaphore_mem>>)
      %dma_wait3A = arith.constant 0 : i32
      %dma_wait3A_90 = arith.constant 0 : i32
      %dma_wait3A_91 = tpu.memref_slice %arg13[%run_scoped3A, %dma_wait3A, %dma_wait3A_90] : memref<2x128x128xf32, #tpu.memory_space<vmem>> -> memref<1x128x128xf32, #tpu.memory_space<vmem>>
      %dma_wait3A_92 = tpu.memref_squeeze %dma_wait3A_91 : memref<1x128x128xf32, #tpu.memory_space<vmem>> -> memref<128x128xf32, #tpu.memory_space<vmem>>
      %dma_wait3A_93 = arith.constant 0 : i32
      %dma_wait3A_94 = arith.constant 0 : i32
      %dma_wait3A_95 = tpu.memref_slice %arg13[%run_scoped3A, %dma_wait3A_93, %dma_wait3A_94] : memref<2x128x128xf32, #tpu.memory_space<vmem>> -> memref<1x128x128xf32, #tpu.memory_space<vmem>>
      %dma_wait3A_96 = tpu.memref_squeeze %dma_wait3A_95 : memref<1x128x128xf32, #tpu.memory_space<vmem>> -> memref<128x128xf32, #tpu.memory_space<vmem>>
      tpu.wait_dma2 semaphore(%run_scoped3A_82 : memref<!tpu.dma_semaphore, #tpu.memory_space<semaphore_mem>>) src(%arg7 : memref<128x128xf32, #tpu.memory_space<hbm>>) dst(%dma_wait3A_96 : memref<128x128xf32, #tpu.memory_space<vmem>>)
      tpu.yield
    }) : () -> ()
    "tpu.region"() ({
      %run_scoped3A_82 = tpu.sem_alloc : memref<!tpu.dma_semaphore, #tpu.memory_space<semaphore_mem>>
      %dma_start3A = arith.constant 0 : i32
      %dma_start3A_83 = tpu.memref_slice %arg5[%mul3A_4, %dma_start3A] : memref<2560x128xi32, #tpu.memory_space<hbm>> -> memref<80x128xi32, #tpu.memory_space<hbm>>
      %dma_start3A_84 = arith.constant 0 : i32
      %dma_start3A_85 = tpu.memref_slice %arg5[%mul3A_4, %dma_start3A_84] : memref<2560x128xi32, #tpu.memory_space<hbm>> -> memref<80x128xi32, #tpu.memory_space<hbm>>
      tpu.enqueue_dma source(%dma_start3A_85 : memref<80x128xi32, #tpu.memory_space<hbm>>) target(%arg19 : memref<80x128xi32, #tpu.memory_space<vmem>>) target_semaphore(%run_scoped3A_82 : memref<!tpu.dma_semaphore, #tpu.memory_space<semaphore_mem>>)
      %dma_wait3A = arith.constant 0 : i32
      %dma_wait3A_86 = tpu.memref_slice %arg5[%mul3A_4, %dma_wait3A] : memref<2560x128xi32, #tpu.memory_space<hbm>> -> memref<80x128xi32, #tpu.memory_space<hbm>>
      %dma_wait3A_87 = arith.constant 0 : i32
      %dma_wait3A_88 = tpu.memref_slice %arg5[%mul3A_4, %dma_wait3A_87] : memref<2560x128xi32, #tpu.memory_space<hbm>> -> memref<80x128xi32, #tpu.memory_space<hbm>>
      tpu.wait_dma2 semaphore(%run_scoped3A_82 : memref<!tpu.dma_semaphore, #tpu.memory_space<semaphore_mem>>) src(%dma_wait3A_88 : memref<80x128xi32, #tpu.memory_space<hbm>>) dst(%arg19 : memref<80x128xi32, #tpu.memory_space<vmem>>)
      tpu.yield
    }) : () -> ()
    %barrier3A = arith.constant 0 : index
    tpu.barrier barrier_id(%barrier3A)
    %sub3A = arith.constant 2500 : i32
    %sub3A_5 = arith.subi %sub3A, %mul3A_4 : i32
    %max3A = arith.constant 0 : i32
    %max3A_6 = arith.maxsi %sub3A_5, %max3A : i32
    %min3A = arith.constant 80 : i32
    %min3A_7 = arith.minsi %max3A_6, %min3A : i32
    %while3A = arith.constant 0 : i32
    %while3A_8 = arith.constant 1 : i32
    %while3A_9 = arith.constant 0 : i32
    %while3A_10 = arith.subi %min3A_7, %while3A_9 : i32
    %while3A_11 = arith.addi %while3A_9, %while3A_10 : i32
    %while3A_12 = arith.constant 1 : i32
    %while3A_13 = arith.divsi %while3A_10, %while3A_12 : i32
    %while3A_14 = arith.muli %while3A_13, %while3A_12 : i32
    %while3A_15 = arith.addi %while3A_9, %while3A_14 : i32
    %while3A_16 = arith.constant 1 : i32
    scf.for %while3A_82 = %while3A_9 to %while3A_15 step %while3A_16  : i32 {
      "tpu.region"() ({
        %run_scoped3A_83 = tpu.sem_alloc : memref<!tpu.dma_semaphore, #tpu.memory_space<semaphore_mem>>
        %dma_start3A = arith.constant 0 : i32
        %dma_start3A_84 = arith.constant 0 : i32
        %dma_start3A_85 = tpu.memref_slice %arg13[%while3A_8, %dma_start3A, %dma_start3A_84] : memref<2x128x128xf32, #tpu.memory_space<vmem>> -> memref<1x128x128xf32, #tpu.memory_space<vmem>>
        %dma_start3A_86 = tpu.memref_squeeze %dma_start3A_85 : memref<1x128x128xf32, #tpu.memory_space<vmem>> -> memref<128x128xf32, #tpu.memory_space<vmem>>
        %dma_start3A_87 = arith.constant 0 : i32
        %dma_start3A_88 = tpu.memref_slice %arg19[%while3A_82, %dma_start3A_87] : memref<80x128xi32, #tpu.memory_space<vmem>> -> memref<1x128xi32, #tpu.memory_space<vmem>>
        %dma_start3A_89 = tpu.memref_squeeze %dma_start3A_88 : memref<1x128xi32, #tpu.memory_space<vmem>> -> memref<128xi32, #tpu.memory_space<vmem>>
        %dma_start3A_90 = arith.constant 0 : i32
        %dma_start3A_91 = arith.constant 0 : i32
        %dma_start3A_92 = tpu.memref_slice %arg10[%dma_start3A_90, %dma_start3A_91] : memref<10240x128xf32, #tpu.memory_space<vmem_shared>> -> memref<10240x128xf32, #tpu.memory_space<vmem_shared>>
        tpu.enqueue_indirect_dma source(%dma_start3A_86 : memref<128x128xf32, #tpu.memory_space<vmem>>) target(%dma_start3A_92 : memref<10240x128xf32, #tpu.memory_space<vmem_shared>>) offsets(%dma_start3A_89 : memref<128xi32, #tpu.memory_space<vmem>>) semaphore(%run_scoped3A_83 : memref<!tpu.dma_semaphore, #tpu.memory_space<semaphore_mem>>) {add = true}
        %dma_wait3A = arith.constant 0 : i32
        %dma_wait3A_93 = arith.constant 0 : i32
        %dma_wait3A_94 = tpu.memref_slice %arg13[%while3A_8, %dma_wait3A, %dma_wait3A_93] : memref<2x128x128xf32, #tpu.memory_space<vmem>> -> memref<1x128x128xf32, #tpu.memory_space<vmem>>
        %dma_wait3A_95 = tpu.memref_squeeze %dma_wait3A_94 : memref<1x128x128xf32, #tpu.memory_space<vmem>> -> memref<128x128xf32, #tpu.memory_space<vmem>>
        %dma_wait3A_96 = arith.constant 0 : i32
        %dma_wait3A_97 = tpu.memref_slice %arg19[%while3A_82, %dma_wait3A_96] : memref<80x128xi32, #tpu.memory_space<vmem>> -> memref<1x128xi32, #tpu.memory_space<vmem>>
        %dma_wait3A_98 = tpu.memref_squeeze %dma_wait3A_97 : memref<1x128xi32, #tpu.memory_space<vmem>> -> memref<128xi32, #tpu.memory_space<vmem>>
        %dma_wait3A_99 = arith.constant 0 : i32
        %dma_wait3A_100 = arith.constant 0 : i32
        %dma_wait3A_101 = tpu.memref_slice %arg10[%dma_wait3A_99, %dma_wait3A_100] : memref<10240x128xf32, #tpu.memory_space<vmem_shared>> -> memref<10240x128xf32, #tpu.memory_space<vmem_shared>>
        tpu.wait_indirect_dma semaphore(%run_scoped3A_83 : memref<!tpu.dma_semaphore, #tpu.memory_space<semaphore_mem>>) src(%dma_wait3A_95 : memref<128x128xf32, #tpu.memory_space<vmem>>) dst(%dma_wait3A_101 : memref<10240x128xf32, #tpu.memory_space<vmem_shared>>)
        tpu.yield
      }) : () -> ()
    }
    %while3A_17 = arith.constant 1 : i32
    scf.for %while3A_82 = %while3A_15 to %while3A_11 step %while3A_17  : i32 {
      "tpu.region"() ({
        %run_scoped3A_83 = tpu.sem_alloc : memref<!tpu.dma_semaphore, #tpu.memory_space<semaphore_mem>>
        %dma_start3A = arith.constant 0 : i32
        %dma_start3A_84 = arith.constant 0 : i32
        %dma_start3A_85 = tpu.memref_slice %arg13[%while3A_8, %dma_start3A, %dma_start3A_84] : memref<2x128x128xf32, #tpu.memory_space<vmem>> -> memref<1x128x128xf32, #tpu.memory_space<vmem>>
        %dma_start3A_86 = tpu.memref_squeeze %dma_start3A_85 : memref<1x128x128xf32, #tpu.memory_space<vmem>> -> memref<128x128xf32, #tpu.memory_space<vmem>>
        %dma_start3A_87 = arith.constant 0 : i32
        %dma_start3A_88 = tpu.memref_slice %arg19[%while3A_82, %dma_start3A_87] : memref<80x128xi32, #tpu.memory_space<vmem>> -> memref<1x128xi32, #tpu.memory_space<vmem>>
        %dma_start3A_89 = tpu.memref_squeeze %dma_start3A_88 : memref<1x128xi32, #tpu.memory_space<vmem>> -> memref<128xi32, #tpu.memory_space<vmem>>
        %dma_start3A_90 = arith.constant 0 : i32
        %dma_start3A_91 = arith.constant 0 : i32
        %dma_start3A_92 = tpu.memref_slice %arg10[%dma_start3A_90, %dma_start3A_91] : memref<10240x128xf32, #tpu.memory_space<vmem_shared>> -> memref<10240x128xf32, #tpu.memory_space<vmem_shared>>
        tpu.enqueue_indirect_dma source(%dma_start3A_86 : memref<128x128xf32, #tpu.memory_space<vmem>>) target(%dma_start3A_92 : memref<10240x128xf32, #tpu.memory_space<vmem_shared>>) offsets(%dma_start3A_89 : memref<128xi32, #tpu.memory_space<vmem>>) semaphore(%run_scoped3A_83 : memref<!tpu.dma_semaphore, #tpu.memory_space<semaphore_mem>>) {add = true}
        %dma_wait3A = arith.constant 0 : i32
        %dma_wait3A_93 = arith.constant 0 : i32
        %dma_wait3A_94 = tpu.memref_slice %arg13[%while3A_8, %dma_wait3A, %dma_wait3A_93] : memref<2x128x128xf32, #tpu.memory_space<vmem>> -> memref<1x128x128xf32, #tpu.memory_space<vmem>>
        %dma_wait3A_95 = tpu.memref_squeeze %dma_wait3A_94 : memref<1x128x128xf32, #tpu.memory_space<vmem>> -> memref<128x128xf32, #tpu.memory_space<vmem>>
        %dma_wait3A_96 = arith.constant 0 : i32
        %dma_wait3A_97 = tpu.memref_slice %arg19[%while3A_82, %dma_wait3A_96] : memref<80x128xi32, #tpu.memory_space<vmem>> -> memref<1x128xi32, #tpu.memory_space<vmem>>
        %dma_wait3A_98 = tpu.memref_squeeze %dma_wait3A_97 : memref<1x128xi32, #tpu.memory_space<vmem>> -> memref<128xi32, #tpu.memory_space<vmem>>
        %dma_wait3A_99 = arith.constant 0 : i32
        %dma_wait3A_100 = arith.constant 0 : i32
        %dma_wait3A_101 = tpu.memref_slice %arg10[%dma_wait3A_99, %dma_wait3A_100] : memref<10240x128xf32, #tpu.memory_space<vmem_shared>> -> memref<10240x128xf32, #tpu.memory_space<vmem_shared>>
        tpu.wait_indirect_dma semaphore(%run_scoped3A_83 : memref<!tpu.dma_semaphore, #tpu.memory_space<semaphore_mem>>) src(%dma_wait3A_95 : memref<128x128xf32, #tpu.memory_space<vmem>>) dst(%dma_wait3A_101 : memref<10240x128xf32, #tpu.memory_space<vmem_shared>>)
        tpu.yield
      }) : () -> ()
    }
    %barrier3A_18 = arith.constant 0 : index
    tpu.barrier barrier_id(%barrier3A_18)
    "tpu.region"() ({
      %run_scoped3A_82 = tpu.sem_alloc : memref<!tpu.dma_semaphore, #tpu.memory_space<semaphore_mem>>
      %dma_start3A = arith.constant 0 : i32
      %dma_start3A_83 = tpu.memref_slice %arg9[%arg0, %mul3A_2, %dma_start3A] : memref<2x10240x128xf32, #tpu.memory_space<hbm>> -> memref<1x640x128xf32, #tpu.memory_space<hbm>>
      %dma_start3A_84 = tpu.memref_squeeze %dma_start3A_83 : memref<1x640x128xf32, #tpu.memory_space<hbm>> -> memref<640x128xf32, #tpu.memory_space<hbm>>
      %dma_start3A_85 = arith.constant 0 : i32
      %dma_start3A_86 = tpu.memref_slice %arg10[%mul3A_2, %dma_start3A_85] : memref<10240x128xf32, #tpu.memory_space<vmem_shared>> -> memref<640x128xf32, #tpu.memory_space<vmem_shared>>
      tpu.enqueue_dma source(%dma_start3A_86 : memref<640x128xf32, #tpu.memory_space<vmem_shared>>) target(%dma_start3A_84 : memref<640x128xf32, #tpu.memory_space<hbm>>) target_semaphore(%run_scoped3A_82 : memref<!tpu.dma_semaphore, #tpu.memory_space<semaphore_mem>>)
      %dma_wait3A = arith.constant 0 : i32
      %dma_wait3A_87 = tpu.memref_slice %arg9[%arg0, %mul3A_2, %dma_wait3A] : memref<2x10240x128xf32, #tpu.memory_space<hbm>> -> memref<1x640x128xf32, #tpu.memory_space<hbm>>
      %dma_wait3A_88 = tpu.memref_squeeze %dma_wait3A_87 : memref<1x640x128xf32, #tpu.memory_space<hbm>> -> memref<640x128xf32, #tpu.memory_space<hbm>>
      %dma_wait3A_89 = arith.constant 0 : i32
      %dma_wait3A_90 = tpu.memref_slice %arg10[%mul3A_2, %dma_wait3A_89] : memref<10240x128xf32, #tpu.memory_space<vmem_shared>> -> memref<640x128xf32, #tpu.memory_space<vmem_shared>>
      tpu.wait_dma2 semaphore(%run_scoped3A_82 : memref<!tpu.dma_semaphore, #tpu.memory_space<semaphore_mem>>) src(%dma_wait3A_90 : memref<640x128xf32, #tpu.memory_space<vmem_shared>>) dst(%dma_wait3A_88 : memref<640x128xf32, #tpu.memory_space<hbm>>)
      tpu.yield
    }) : () -> ()
    "tpu.region"() ({
      %run_scoped3A_82 = tpu.sem_alloc : memref<!tpu.dma_semaphore, #tpu.memory_space<semaphore_mem>>
      %dma_start3A = arith.constant 0 : i32
      %dma_start3A_83 = tpu.memref_slice %arg10[%mul3A_2, %dma_start3A] : memref<10240x128xf32, #tpu.memory_space<vmem_shared>> -> memref<640x128xf32, #tpu.memory_space<vmem_shared>>
      %dma_start3A_84 = arith.constant 0 : i32
      %dma_start3A_85 = tpu.memref_slice %arg6[%mul3A_2, %dma_start3A_84] : memref<10240x128xf32, #tpu.memory_space<hbm>> -> memref<640x128xf32, #tpu.memory_space<hbm>>
      tpu.enqueue_dma source(%dma_start3A_85 : memref<640x128xf32, #tpu.memory_space<hbm>>) target(%dma_start3A_83 : memref<640x128xf32, #tpu.memory_space<vmem_shared>>) target_semaphore(%run_scoped3A_82 : memref<!tpu.dma_semaphore, #tpu.memory_space<semaphore_mem>>)
      %dma_wait3A = arith.constant 0 : i32
      %dma_wait3A_86 = tpu.memref_slice %arg10[%mul3A_2, %dma_wait3A] : memref<10240x128xf32, #tpu.memory_space<vmem_shared>> -> memref<640x128xf32, #tpu.memory_space<vmem_shared>>
      %dma_wait3A_87 = arith.constant 0 : i32
      %dma_wait3A_88 = tpu.memref_slice %arg6[%mul3A_2, %dma_wait3A_87] : memref<10240x128xf32, #tpu.memory_space<hbm>> -> memref<640x128xf32, #tpu.memory_space<hbm>>
      tpu.wait_dma2 semaphore(%run_scoped3A_82 : memref<!tpu.dma_semaphore, #tpu.memory_space<semaphore_mem>>) src(%dma_wait3A_88 : memref<640x128xf32, #tpu.memory_space<hbm>>) dst(%dma_wait3A_86 : memref<640x128xf32, #tpu.memory_space<vmem_shared>>)
      tpu.yield
    }) : () -> ()
    %barrier3A_19 = arith.constant 0 : index
    tpu.barrier barrier_id(%barrier3A_19)
    %sub3A_20 = arith.constant 2500 : i32
    %sub3A_21 = arith.subi %sub3A_20, %add3A : i32
    %add3A_22 = arith.constant 32 : i32
    %add3A_23 = arith.addi %sub3A_21, %add3A_22 : i32
    %sub3A_24 = arith.constant 1 : i32
    %sub3A_25 = arith.subi %add3A_23, %sub3A_24 : i32
    %jit3A = arith.constant 32 : i32
    %div3A = arith.divsi %sub3A_25, %jit3A : i32
    %sign3A = arith.constant 0 : i32
    %sign3A_26 = arith.cmpi sgt, %sub3A_25, %sign3A : i32
    %sign3A_27 = arith.extui %sign3A_26 : i1 to i32
    %sign3A_28 = arith.constant 0 : i32
    %sign3A_29 = arith.cmpi slt, %sub3A_25, %sign3A_28 : i32
    %sign3A_30 = arith.extui %sign3A_29 : i1 to i32
    %sign3A_31 = arith.subi %sign3A_27, %sign3A_30 : i32
    %sign3A_32 = arith.constant 0 : i32
    %sign3A_33 = arith.cmpi sgt, %jit3A, %sign3A_32 : i32
    %sign3A_34 = arith.extui %sign3A_33 : i1 to i32
    %sign3A_35 = arith.constant 0 : i32
    %sign3A_36 = arith.cmpi slt, %jit3A, %sign3A_35 : i32
    %sign3A_37 = arith.extui %sign3A_36 : i1 to i32
    %sign3A_38 = arith.subi %sign3A_34, %sign3A_37 : i32
    %ne3A = arith.cmpi ne, %sign3A_31, %sign3A_38 : i32
    %rem3A = arith.remsi %sub3A_25, %jit3A : i32
    %ne3A_39 = arith.constant 0 : i32
    %ne3A_40 = arith.cmpi ne, %rem3A, %ne3A_39 : i32
    %and3A = arith.andi %ne3A, %ne3A_40 : i1
    %sub3A_41 = arith.constant 1 : i32
    %sub3A_42 = arith.subi %div3A, %sub3A_41 : i32
    %select_n3A = arith.select %and3A, %sub3A_42, %div3A : i32
    %gt3A = arith.constant 0 : i32
    %gt3A_43 = arith.cmpi sgt, %select_n3A, %gt3A : i32
    %convert_element_type3A = arith.extui %gt3A_43 : i1 to i32
    %cond3A = arith.constant 0 : i32
    %cond3A_44 = arith.cmpi ne, %convert_element_type3A, %cond3A : i32
    scf.if %cond3A_44 {
      %add3A_82 = arith.constant 0 : i32
      %add3A_83 = arith.addi %add3A, %add3A_82 : i32
      %mul3A_84 = arith.constant 128 : i32
      %mul3A_85 = arith.muli %add3A_83, %mul3A_84 : i32
      %dma_start3A = arith.constant 0 : i32
      %dma_start3A_86 = arith.constant 0 : i32
      %dma_start3A_87 = tpu.memref_slice %arg11[%dma_start3A, %dma_start3A_86] : memref<2x128xi32, #tpu.memory_space<vmem>> -> memref<1x128xi32, #tpu.memory_space<vmem>>
      %dma_start3A_88 = tpu.memref_squeeze %dma_start3A_87 : memref<1x128xi32, #tpu.memory_space<vmem>> -> memref<128xi32, #tpu.memory_space<vmem>>
      %dma_start3A_89 = tpu.memref_slice %arg3[%mul3A_85] : memref<320000xi32, #tpu.memory_space<hbm>> -> memref<128xi32, #tpu.memory_space<hbm>>
      %dma_start3A_90 = arith.constant 0 : i32
      %dma_start3A_91 = tpu.memref_slice %arg11[%dma_start3A, %dma_start3A_90] : memref<2x128xi32, #tpu.memory_space<vmem>> -> memref<1x128xi32, #tpu.memory_space<vmem>>
      %dma_start3A_92 = tpu.memref_squeeze %dma_start3A_91 : memref<1x128xi32, #tpu.memory_space<vmem>> -> memref<128xi32, #tpu.memory_space<vmem>>
      %dma_start3A_93 = tpu.memref_slice %arg3[%mul3A_85] : memref<320000xi32, #tpu.memory_space<hbm>> -> memref<128xi32, #tpu.memory_space<hbm>>
      tpu.enqueue_dma source(%dma_start3A_93 : memref<128xi32, #tpu.memory_space<hbm>>) target(%dma_start3A_92 : memref<128xi32, #tpu.memory_space<vmem>>) target_semaphore(%arg18 : memref<!tpu.dma_semaphore, #tpu.memory_space<semaphore_mem>>)
      %dma_start3A_94 = arith.constant 0 : i32
      %dma_start3A_95 = arith.constant 0 : i32
      %dma_start3A_96 = tpu.memref_slice %arg12[%dma_start3A_94, %dma_start3A_95] : memref<2x128xi32, #tpu.memory_space<vmem>> -> memref<1x128xi32, #tpu.memory_space<vmem>>
      %dma_start3A_97 = tpu.memref_squeeze %dma_start3A_96 : memref<1x128xi32, #tpu.memory_space<vmem>> -> memref<128xi32, #tpu.memory_space<vmem>>
      %dma_start3A_98 = tpu.memref_slice %arg4[%mul3A_85] : memref<320000xi32, #tpu.memory_space<hbm>> -> memref<128xi32, #tpu.memory_space<hbm>>
      %dma_start3A_99 = arith.constant 0 : i32
      %dma_start3A_100 = tpu.memref_slice %arg12[%dma_start3A_94, %dma_start3A_99] : memref<2x128xi32, #tpu.memory_space<vmem>> -> memref<1x128xi32, #tpu.memory_space<vmem>>
      %dma_start3A_101 = tpu.memref_squeeze %dma_start3A_100 : memref<1x128xi32, #tpu.memory_space<vmem>> -> memref<128xi32, #tpu.memory_space<vmem>>
      %dma_start3A_102 = tpu.memref_slice %arg4[%mul3A_85] : memref<320000xi32, #tpu.memory_space<hbm>> -> memref<128xi32, #tpu.memory_space<hbm>>
      tpu.enqueue_dma source(%dma_start3A_102 : memref<128xi32, #tpu.memory_space<hbm>>) target(%dma_start3A_101 : memref<128xi32, #tpu.memory_space<vmem>>) target_semaphore(%arg18 : memref<!tpu.dma_semaphore, #tpu.memory_space<semaphore_mem>>)
      %dma_wait3A = arith.constant 0 : i32
      %dma_wait3A_103 = arith.constant 0 : i32
      %dma_wait3A_104 = tpu.memref_slice %arg11[%dma_wait3A, %dma_wait3A_103] : memref<2x128xi32, #tpu.memory_space<vmem>> -> memref<1x128xi32, #tpu.memory_space<vmem>>
      %dma_wait3A_105 = tpu.memref_squeeze %dma_wait3A_104 : memref<1x128xi32, #tpu.memory_space<vmem>> -> memref<128xi32, #tpu.memory_space<vmem>>
      %dma_wait3A_106 = arith.constant 0 : i32
      %dma_wait3A_107 = tpu.memref_slice %arg3[%dma_wait3A_106] : memref<320000xi32, #tpu.memory_space<hbm>> -> memref<128xi32, #tpu.memory_space<hbm>>
      %dma_wait3A_108 = arith.constant 0 : i32
      %dma_wait3A_109 = tpu.memref_slice %arg11[%dma_wait3A, %dma_wait3A_108] : memref<2x128xi32, #tpu.memory_space<vmem>> -> memref<1x128xi32, #tpu.memory_space<vmem>>
      %dma_wait3A_110 = tpu.memref_squeeze %dma_wait3A_109 : memref<1x128xi32, #tpu.memory_space<vmem>> -> memref<128xi32, #tpu.memory_space<vmem>>
      %dma_wait3A_111 = arith.constant 0 : i32
      %dma_wait3A_112 = tpu.memref_slice %arg3[%dma_wait3A_111] : memref<320000xi32, #tpu.memory_space<hbm>> -> memref<128xi32, #tpu.memory_space<hbm>>
      tpu.wait_dma2 semaphore(%arg18 : memref<!tpu.dma_semaphore, #tpu.memory_space<semaphore_mem>>) src(%dma_wait3A_112 : memref<128xi32, #tpu.memory_space<hbm>>) dst(%dma_wait3A_110 : memref<128xi32, #tpu.memory_space<vmem>>)
      %dma_wait3A_113 = arith.constant 0 : i32
      %dma_wait3A_114 = arith.constant 0 : i32
      %dma_wait3A_115 = tpu.memref_slice %arg12[%dma_wait3A_113, %dma_wait3A_114] : memref<2x128xi32, #tpu.memory_space<vmem>> -> memref<1x128xi32, #tpu.memory_space<vmem>>
      %dma_wait3A_116 = tpu.memref_squeeze %dma_wait3A_115 : memref<1x128xi32, #tpu.memory_space<vmem>> -> memref<128xi32, #tpu.memory_space<vmem>>
      %dma_wait3A_117 = arith.constant 0 : i32
      %dma_wait3A_118 = tpu.memref_slice %arg4[%dma_wait3A_117] : memref<320000xi32, #tpu.memory_space<hbm>> -> memref<128xi32, #tpu.memory_space<hbm>>
      %dma_wait3A_119 = arith.constant 0 : i32
      %dma_wait3A_120 = tpu.memref_slice %arg12[%dma_wait3A_113, %dma_wait3A_119] : memref<2x128xi32, #tpu.memory_space<vmem>> -> memref<1x128xi32, #tpu.memory_space<vmem>>
      %dma_wait3A_121 = tpu.memref_squeeze %dma_wait3A_120 : memref<1x128xi32, #tpu.memory_space<vmem>> -> memref<128xi32, #tpu.memory_space<vmem>>
      %dma_wait3A_122 = arith.constant 0 : i32
      %dma_wait3A_123 = tpu.memref_slice %arg4[%dma_wait3A_122] : memref<320000xi32, #tpu.memory_space<hbm>> -> memref<128xi32, #tpu.memory_space<hbm>>
      tpu.wait_dma2 semaphore(%arg18 : memref<!tpu.dma_semaphore, #tpu.memory_space<semaphore_mem>>) src(%dma_wait3A_123 : memref<128xi32, #tpu.memory_space<hbm>>) dst(%dma_wait3A_121 : memref<128xi32, #tpu.memory_space<vmem>>)
      %dma_start3A_124 = arith.constant 0 : i32
      %dma_start3A_125 = arith.constant 0 : i32
      %dma_start3A_126 = arith.constant 0 : i32
      %dma_start3A_127 = arith.constant 0 : i32
      %dma_start3A_128 = tpu.memref_slice %arg13[%dma_start3A_125, %dma_start3A_126, %dma_start3A_127] : memref<2x128x128xf32, #tpu.memory_space<vmem>> -> memref<1x128x128xf32, #tpu.memory_space<vmem>>
      %dma_start3A_129 = tpu.memref_squeeze %dma_start3A_128 : memref<1x128x128xf32, #tpu.memory_space<vmem>> -> memref<128x128xf32, #tpu.memory_space<vmem>>
      %dma_start3A_130 = arith.constant 0 : i32
      %dma_start3A_131 = tpu.memref_slice %arg11[%dma_start3A_124, %dma_start3A_130] : memref<2x128xi32, #tpu.memory_space<vmem>> -> memref<1x128xi32, #tpu.memory_space<vmem>>
      %dma_start3A_132 = tpu.memref_squeeze %dma_start3A_131 : memref<1x128xi32, #tpu.memory_space<vmem>> -> memref<128xi32, #tpu.memory_space<vmem>>
      %dma_start3A_133 = arith.constant 0 : i32
      %dma_start3A_134 = arith.constant 0 : i32
      %dma_start3A_135 = tpu.memref_slice %arg2[%dma_start3A_133, %dma_start3A_134] : memref<10000x128xf32, #tpu.memory_space<hbm>> -> memref<10000x128xf32, #tpu.memory_space<hbm>>
      tpu.enqueue_indirect_dma source(%dma_start3A_135 : memref<10000x128xf32, #tpu.memory_space<hbm>>) target(%dma_start3A_129 : memref<128x128xf32, #tpu.memory_space<vmem>>) offsets(%dma_start3A_132 : memref<128xi32, #tpu.memory_space<vmem>>) semaphore(%arg14 : memref<!tpu.dma_semaphore, #tpu.memory_space<semaphore_mem>>)
    } else {
    }
    %add3A_45 = arith.constant 1 : i32
    %add3A_46 = arith.addi %select_n3A, %add3A_45 : i32
    %jit3A_47 = arith.constant 2 : i32
    %div3A_48 = arith.divsi %add3A_46, %jit3A_47 : i32
    %sign3A_49 = arith.constant 0 : i32
    %sign3A_50 = arith.cmpi sgt, %add3A_46, %sign3A_49 : i32
    %sign3A_51 = arith.extui %sign3A_50 : i1 to i32
    %sign3A_52 = arith.constant 0 : i32
    %sign3A_53 = arith.cmpi slt, %add3A_46, %sign3A_52 : i32
    %sign3A_54 = arith.extui %sign3A_53 : i1 to i32
    %sign3A_55 = arith.subi %sign3A_51, %sign3A_54 : i32
    %sign3A_56 = arith.constant 0 : i32
    %sign3A_57 = arith.cmpi sgt, %jit3A_47, %sign3A_56 : i32
    %sign3A_58 = arith.extui %sign3A_57 : i1 to i32
    %sign3A_59 = arith.constant 0 : i32
    %sign3A_60 = arith.cmpi slt, %jit3A_47, %sign3A_59 : i32
    %sign3A_61 = arith.extui %sign3A_60 : i1 to i32
    %sign3A_62 = arith.subi %sign3A_58, %sign3A_61 : i32
    %ne3A_63 = arith.cmpi ne, %sign3A_55, %sign3A_62 : i32
    %rem3A_64 = arith.remsi %add3A_46, %jit3A_47 : i32
    %ne3A_65 = arith.constant 0 : i32
    %ne3A_66 = arith.cmpi ne, %rem3A_64, %ne3A_65 : i32
    %and3A_67 = arith.andi %ne3A_63, %ne3A_66 : i1
    %sub3A_68 = arith.constant 1 : i32
    %sub3A_69 = arith.subi %div3A_48, %sub3A_68 : i32
    %select_n3A_70 = arith.select %and3A_67, %sub3A_69, %div3A_48 : i32
    %while3A_71 = arith.constant 0 : i32
    %while3A_72 = arith.constant 0 : i32
    %while3A_73 = arith.subi %select_n3A_70, %while3A_72 : i32
    %while3A_74 = arith.addi %while3A_72, %while3A_73 : i32
    %while3A_75 = arith.constant 1 : i32
    %while3A_76 = arith.divsi %while3A_73, %while3A_75 : i32
    %while3A_77 = arith.muli %while3A_76, %while3A_75 : i32
    %while3A_78 = arith.addi %while3A_72, %while3A_77 : i32
    %while3A_79 = arith.constant 1 : i32
    scf.for %while3A_82 = %while3A_72 to %while3A_78 step %while3A_79  : i32 {
      %mul3A_83 = arith.constant 2 : i32
      %mul3A_84 = arith.muli %mul3A_83, %while3A_82 : i32
      %add3A_85 = arith.constant 1 : i32
      %add3A_86 = arith.addi %mul3A_84, %add3A_85 : i32
      %lt3A = arith.cmpi slt, %add3A_86, %select_n3A : i32
      %convert_element_type3A_87 = arith.extui %lt3A : i1 to i32
      %cond3A_88 = arith.constant 0 : i32
      %cond3A_89 = arith.cmpi ne, %convert_element_type3A_87, %cond3A_88 : i32
      scf.if %cond3A_89 {
        %add3A_115 = arith.constant 1 : i32
        %add3A_116 = arith.addi %mul3A_84, %add3A_115 : i32
        %mul3A_117 = arith.constant 32 : i32
        %mul3A_118 = arith.muli %add3A_116, %mul3A_117 : i32
        %add3A_119 = arith.addi %add3A, %mul3A_118 : i32
        %mul3A_120 = arith.constant 128 : i32
        %mul3A_121 = arith.muli %add3A_119, %mul3A_120 : i32
        %dma_start3A = arith.constant 1 : i32
        %dma_start3A_122 = arith.constant 0 : i32
        %dma_start3A_123 = tpu.memref_slice %arg11[%dma_start3A, %dma_start3A_122] : memref<2x128xi32, #tpu.memory_space<vmem>> -> memref<1x128xi32, #tpu.memory_space<vmem>>
        %dma_start3A_124 = tpu.memref_squeeze %dma_start3A_123 : memref<1x128xi32, #tpu.memory_space<vmem>> -> memref<128xi32, #tpu.memory_space<vmem>>
        %dma_start3A_125 = tpu.memref_slice %arg3[%mul3A_121] : memref<320000xi32, #tpu.memory_space<hbm>> -> memref<128xi32, #tpu.memory_space<hbm>>
        %dma_start3A_126 = arith.constant 0 : i32
        %dma_start3A_127 = tpu.memref_slice %arg11[%dma_start3A, %dma_start3A_126] : memref<2x128xi32, #tpu.memory_space<vmem>> -> memref<1x128xi32, #tpu.memory_space<vmem>>
        %dma_start3A_128 = tpu.memref_squeeze %dma_start3A_127 : memref<1x128xi32, #tpu.memory_space<vmem>> -> memref<128xi32, #tpu.memory_space<vmem>>
        %dma_start3A_129 = tpu.memref_slice %arg3[%mul3A_121] : memref<320000xi32, #tpu.memory_space<hbm>> -> memref<128xi32, #tpu.memory_space<hbm>>
        tpu.enqueue_dma source(%dma_start3A_129 : memref<128xi32, #tpu.memory_space<hbm>>) target(%dma_start3A_128 : memref<128xi32, #tpu.memory_space<vmem>>) target_semaphore(%arg18 : memref<!tpu.dma_semaphore, #tpu.memory_space<semaphore_mem>>)
        %dma_start3A_130 = arith.constant 1 : i32
        %dma_start3A_131 = arith.constant 0 : i32
        %dma_start3A_132 = tpu.memref_slice %arg12[%dma_start3A_130, %dma_start3A_131] : memref<2x128xi32, #tpu.memory_space<vmem>> -> memref<1x128xi32, #tpu.memory_space<vmem>>
        %dma_start3A_133 = tpu.memref_squeeze %dma_start3A_132 : memref<1x128xi32, #tpu.memory_space<vmem>> -> memref<128xi32, #tpu.memory_space<vmem>>
        %dma_start3A_134 = tpu.memref_slice %arg4[%mul3A_121] : memref<320000xi32, #tpu.memory_space<hbm>> -> memref<128xi32, #tpu.memory_space<hbm>>
        %dma_start3A_135 = arith.constant 0 : i32
        %dma_start3A_136 = tpu.memref_slice %arg12[%dma_start3A_130, %dma_start3A_135] : memref<2x128xi32, #tpu.memory_space<vmem>> -> memref<1x128xi32, #tpu.memory_space<vmem>>
        %dma_start3A_137 = tpu.memref_squeeze %dma_start3A_136 : memref<1x128xi32, #tpu.memory_space<vmem>> -> memref<128xi32, #tpu.memory_space<vmem>>
        %dma_start3A_138 = tpu.memref_slice %arg4[%mul3A_121] : memref<320000xi32, #tpu.memory_space<hbm>> -> memref<128xi32, #tpu.memory_space<hbm>>
        tpu.enqueue_dma source(%dma_start3A_138 : memref<128xi32, #tpu.memory_space<hbm>>) target(%dma_start3A_137 : memref<128xi32, #tpu.memory_space<vmem>>) target_semaphore(%arg18 : memref<!tpu.dma_semaphore, #tpu.memory_space<semaphore_mem>>)
        %dma_wait3A_139 = arith.constant 1 : i32
        %dma_wait3A_140 = arith.constant 0 : i32
        %dma_wait3A_141 = tpu.memref_slice %arg11[%dma_wait3A_139, %dma_wait3A_140] : memref<2x128xi32, #tpu.memory_space<vmem>> -> memref<1x128xi32, #tpu.memory_space<vmem>>
        %dma_wait3A_142 = tpu.memref_squeeze %dma_wait3A_141 : memref<1x128xi32, #tpu.memory_space<vmem>> -> memref<128xi32, #tpu.memory_space<vmem>>
        %dma_wait3A_143 = arith.constant 0 : i32
        %dma_wait3A_144 = tpu.memref_slice %arg3[%dma_wait3A_143] : memref<320000xi32, #tpu.memory_space<hbm>> -> memref<128xi32, #tpu.memory_space<hbm>>
        %dma_wait3A_145 = arith.constant 0 : i32
        %dma_wait3A_146 = tpu.memref_slice %arg11[%dma_wait3A_139, %dma_wait3A_145] : memref<2x128xi32, #tpu.memory_space<vmem>> -> memref<1x128xi32, #tpu.memory_space<vmem>>
        %dma_wait3A_147 = tpu.memref_squeeze %dma_wait3A_146 : memref<1x128xi32, #tpu.memory_space<vmem>> -> memref<128xi32, #tpu.memory_space<vmem>>
        %dma_wait3A_148 = arith.constant 0 : i32
        %dma_wait3A_149 = tpu.memref_slice %arg3[%dma_wait3A_148] : memref<320000xi32, #tpu.memory_space<hbm>> -> memref<128xi32, #tpu.memory_space<hbm>>
        tpu.wait_dma2 semaphore(%arg18 : memref<!tpu.dma_semaphore, #tpu.memory_space<semaphore_mem>>) src(%dma_wait3A_149 : memref<128xi32, #tpu.memory_space<hbm>>) dst(%dma_wait3A_147 : memref<128xi32, #tpu.memory_space<vmem>>)
        %dma_wait3A_150 = arith.constant 1 : i32
        %dma_wait3A_151 = arith.constant 0 : i32
        %dma_wait3A_152 = tpu.memref_slice %arg12[%dma_wait3A_150, %dma_wait3A_151] : memref<2x128xi32, #tpu.memory_space<vmem>> -> memref<1x128xi32, #tpu.memory_space<vmem>>
        %dma_wait3A_153 = tpu.memref_squeeze %dma_wait3A_152 : memref<1x128xi32, #tpu.memory_space<vmem>> -> memref<128xi32, #tpu.memory_space<vmem>>
        %dma_wait3A_154 = arith.constant 0 : i32
        %dma_wait3A_155 = tpu.memref_slice %arg4[%dma_wait3A_154] : memref<320000xi32, #tpu.memory_space<hbm>> -> memref<128xi32, #tpu.memory_space<hbm>>
        %dma_wait3A_156 = arith.constant 0 : i32
        %dma_wait3A_157 = tpu.memref_slice %arg12[%dma_wait3A_150, %dma_wait3A_156] : memref<2x128xi32, #tpu.memory_space<vmem>> -> memref<1x128xi32, #tpu.memory_space<vmem>>
        %dma_wait3A_158 = tpu.memref_squeeze %dma_wait3A_157 : memref<1x128xi32, #tpu.memory_space<vmem>> -> memref<128xi32, #tpu.memory_space<vmem>>
        %dma_wait3A_159 = arith.constant 0 : i32
        %dma_wait3A_160 = tpu.memref_slice %arg4[%dma_wait3A_159] : memref<320000xi32, #tpu.memory_space<hbm>> -> memref<128xi32, #tpu.memory_space<hbm>>
        tpu.wait_dma2 semaphore(%arg18 : memref<!tpu.dma_semaphore, #tpu.memory_space<semaphore_mem>>) src(%dma_wait3A_160 : memref<128xi32, #tpu.memory_space<hbm>>) dst(%dma_wait3A_158 : memref<128xi32, #tpu.memory_space<vmem>>)
        %dma_start3A_161 = arith.constant 1 : i32
        %dma_start3A_162 = arith.constant 1 : i32
        %dma_start3A_163 = arith.constant 0 : i32
        %dma_start3A_164 = arith.constant 0 : i32
        %dma_start3A_165 = tpu.memref_slice %arg13[%dma_start3A_162, %dma_start3A_163, %dma_start3A_164] : memref<2x128x128xf32, #tpu.memory_space<vmem>> -> memref<1x128x128xf32, #tpu.memory_space<vmem>>
        %dma_start3A_166 = tpu.memref_squeeze %dma_start3A_165 : memref<1x128x128xf32, #tpu.memory_space<vmem>> -> memref<128x128xf32, #tpu.memory_space<vmem>>
        %dma_start3A_167 = arith.constant 0 : i32
        %dma_start3A_168 = tpu.memref_slice %arg11[%dma_start3A_161, %dma_start3A_167] : memref<2x128xi32, #tpu.memory_space<vmem>> -> memref<1x128xi32, #tpu.memory_space<vmem>>
        %dma_start3A_169 = tpu.memref_squeeze %dma_start3A_168 : memref<1x128xi32, #tpu.memory_space<vmem>> -> memref<128xi32, #tpu.memory_space<vmem>>
        %dma_start3A_170 = arith.constant 0 : i32
        %dma_start3A_171 = arith.constant 0 : i32
        %dma_start3A_172 = tpu.memref_slice %arg2[%dma_start3A_170, %dma_start3A_171] : memref<10000x128xf32, #tpu.memory_space<hbm>> -> memref<10000x128xf32, #tpu.memory_space<hbm>>
        tpu.enqueue_indirect_dma source(%dma_start3A_172 : memref<10000x128xf32, #tpu.memory_space<hbm>>) target(%dma_start3A_166 : memref<128x128xf32, #tpu.memory_space<vmem>>) offsets(%dma_start3A_169 : memref<128xi32, #tpu.memory_space<vmem>>) semaphore(%arg15 : memref<!tpu.dma_semaphore, #tpu.memory_space<semaphore_mem>>)
      } else {
      }
      %dma_wait3A = arith.constant 0 : i32
      %dma_wait3A_90 = arith.constant 0 : i32
      %dma_wait3A_91 = arith.constant 0 : i32
      %dma_wait3A_92 = arith.constant 0 : i32
      %dma_wait3A_93 = tpu.memref_slice %arg13[%dma_wait3A_90, %dma_wait3A_91, %dma_wait3A_92] : memref<2x128x128xf32, #tpu.memory_space<vmem>> -> memref<1x128x128xf32, #tpu.memory_space<vmem>>
      %dma_wait3A_94 = tpu.memref_squeeze %dma_wait3A_93 : memref<1x128x128xf32, #tpu.memory_space<vmem>> -> memref<128x128xf32, #tpu.memory_space<vmem>>
      %dma_wait3A_95 = arith.constant 0 : i32
      %dma_wait3A_96 = tpu.memref_slice %arg11[%dma_wait3A, %dma_wait3A_95] : memref<2x128xi32, #tpu.memory_space<vmem>> -> memref<1x128xi32, #tpu.memory_space<vmem>>
      %dma_wait3A_97 = tpu.memref_squeeze %dma_wait3A_96 : memref<1x128xi32, #tpu.memory_space<vmem>> -> memref<128xi32, #tpu.memory_space<vmem>>
      %dma_wait3A_98 = arith.constant 0 : i32
      %dma_wait3A_99 = arith.constant 0 : i32
      %dma_wait3A_100 = tpu.memref_slice %arg2[%dma_wait3A_98, %dma_wait3A_99] : memref<10000x128xf32, #tpu.memory_space<hbm>> -> memref<10000x128xf32, #tpu.memory_space<hbm>>
      tpu.wait_indirect_dma semaphore(%arg14 : memref<!tpu.dma_semaphore, #tpu.memory_space<semaphore_mem>>) src(%dma_wait3A_100 : memref<10000x128xf32, #tpu.memory_space<hbm>>) dst(%dma_wait3A_94 : memref<128x128xf32, #tpu.memory_space<vmem>>)
      %run_scoped3A_101 = arith.constant 0 : i32
      %run_scoped3A_102 = arith.constant 0 : i32
      "tpu.region"() ({
        %run_scoped3A_115 = tpu.sem_alloc : memref<!tpu.dma_semaphore, #tpu.memory_space<semaphore_mem>>
        %dma_start3A = arith.constant 0 : i32
        %dma_start3A_116 = arith.constant 0 : i32
        %dma_start3A_117 = tpu.memref_slice %arg13[%run_scoped3A_101, %dma_start3A, %dma_start3A_116] : memref<2x128x128xf32, #tpu.memory_space<vmem>> -> memref<1x128x128xf32, #tpu.memory_space<vmem>>
        %dma_start3A_118 = tpu.memref_squeeze %dma_start3A_117 : memref<1x128x128xf32, #tpu.memory_space<vmem>> -> memref<128x128xf32, #tpu.memory_space<vmem>>
        %dma_start3A_119 = arith.constant 0 : i32
        %dma_start3A_120 = tpu.memref_slice %arg12[%run_scoped3A_102, %dma_start3A_119] : memref<2x128xi32, #tpu.memory_space<vmem>> -> memref<1x128xi32, #tpu.memory_space<vmem>>
        %dma_start3A_121 = tpu.memref_squeeze %dma_start3A_120 : memref<1x128xi32, #tpu.memory_space<vmem>> -> memref<128xi32, #tpu.memory_space<vmem>>
        %dma_start3A_122 = arith.constant 0 : i32
        %dma_start3A_123 = arith.constant 0 : i32
        %dma_start3A_124 = tpu.memref_slice %arg10[%dma_start3A_122, %dma_start3A_123] : memref<10240x128xf32, #tpu.memory_space<vmem_shared>> -> memref<10240x128xf32, #tpu.memory_space<vmem_shared>>
        tpu.enqueue_indirect_dma source(%dma_start3A_118 : memref<128x128xf32, #tpu.memory_space<vmem>>) target(%dma_start3A_124 : memref<10240x128xf32, #tpu.memory_space<vmem_shared>>) offsets(%dma_start3A_121 : memref<128xi32, #tpu.memory_space<vmem>>) semaphore(%run_scoped3A_115 : memref<!tpu.dma_semaphore, #tpu.memory_space<semaphore_mem>>) {add = true}
        %dma_wait3A_125 = arith.constant 0 : i32
        %dma_wait3A_126 = arith.constant 0 : i32
        %dma_wait3A_127 = tpu.memref_slice %arg13[%run_scoped3A_101, %dma_wait3A_125, %dma_wait3A_126] : memref<2x128x128xf32, #tpu.memory_space<vmem>> -> memref<1x128x128xf32, #tpu.memory_space<vmem>>
        %dma_wait3A_128 = tpu.memref_squeeze %dma_wait3A_127 : memref<1x128x128xf32, #tpu.memory_space<vmem>> -> memref<128x128xf32, #tpu.memory_space<vmem>>
        %dma_wait3A_129 = arith.constant 0 : i32
        %dma_wait3A_130 = tpu.memref_slice %arg12[%run_scoped3A_102, %dma_wait3A_129] : memref<2x128xi32, #tpu.memory_space<vmem>> -> memref<1x128xi32, #tpu.memory_space<vmem>>
        %dma_wait3A_131 = tpu.memref_squeeze %dma_wait3A_130 : memref<1x128xi32, #tpu.memory_space<vmem>> -> memref<128xi32, #tpu.memory_space<vmem>>
        %dma_wait3A_132 = arith.constant 0 : i32
        %dma_wait3A_133 = arith.constant 0 : i32
        %dma_wait3A_134 = tpu.memref_slice %arg10[%dma_wait3A_132, %dma_wait3A_133] : memref<10240x128xf32, #tpu.memory_space<vmem_shared>> -> memref<10240x128xf32, #tpu.memory_space<vmem_shared>>
        tpu.wait_indirect_dma semaphore(%run_scoped3A_115 : memref<!tpu.dma_semaphore, #tpu.memory_space<semaphore_mem>>) src(%dma_wait3A_128 : memref<128x128xf32, #tpu.memory_space<vmem>>) dst(%dma_wait3A_134 : memref<10240x128xf32, #tpu.memory_space<vmem_shared>>)
        tpu.yield
      }) : () -> ()
      %add3A_103 = arith.constant 2 : i32
      %add3A_104 = arith.addi %mul3A_84, %add3A_103 : i32
      %lt3A_105 = arith.cmpi slt, %add3A_104, %select_n3A : i32
      %convert_element_type3A_106 = arith.extui %lt3A_105 : i1 to i32
      %cond3A_107 = arith.constant 0 : i32
      %cond3A_108 = arith.cmpi ne, %convert_element_type3A_106, %cond3A_107 : i32
      scf.if %cond3A_108 {
        %add3A_115 = arith.constant 2 : i32
        %add3A_116 = arith.addi %mul3A_84, %add3A_115 : i32
        %mul3A_117 = arith.constant 32 : i32
        %mul3A_118 = arith.muli %add3A_116, %mul3A_117 : i32
        %add3A_119 = arith.addi %add3A, %mul3A_118 : i32
        %mul3A_120 = arith.constant 128 : i32
        %mul3A_121 = arith.muli %add3A_119, %mul3A_120 : i32
        %dma_start3A = arith.constant 0 : i32
        %dma_start3A_122 = arith.constant 0 : i32
        %dma_start3A_123 = tpu.memref_slice %arg11[%dma_start3A, %dma_start3A_122] : memref<2x128xi32, #tpu.memory_space<vmem>> -> memref<1x128xi32, #tpu.memory_space<vmem>>
        %dma_start3A_124 = tpu.memref_squeeze %dma_start3A_123 : memref<1x128xi32, #tpu.memory_space<vmem>> -> memref<128xi32, #tpu.memory_space<vmem>>
        %dma_start3A_125 = tpu.memref_slice %arg3[%mul3A_121] : memref<320000xi32, #tpu.memory_space<hbm>> -> memref<128xi32, #tpu.memory_space<hbm>>
        %dma_start3A_126 = arith.constant 0 : i32
        %dma_start3A_127 = tpu.memref_slice %arg11[%dma_start3A, %dma_start3A_126] : memref<2x128xi32, #tpu.memory_space<vmem>> -> memref<1x128xi32, #tpu.memory_space<vmem>>
        %dma_start3A_128 = tpu.memref_squeeze %dma_start3A_127 : memref<1x128xi32, #tpu.memory_space<vmem>> -> memref<128xi32, #tpu.memory_space<vmem>>
        %dma_start3A_129 = tpu.memref_slice %arg3[%mul3A_121] : memref<320000xi32, #tpu.memory_space<hbm>> -> memref<128xi32, #tpu.memory_space<hbm>>
        tpu.enqueue_dma source(%dma_start3A_129 : memref<128xi32, #tpu.memory_space<hbm>>) target(%dma_start3A_128 : memref<128xi32, #tpu.memory_space<vmem>>) target_semaphore(%arg18 : memref<!tpu.dma_semaphore, #tpu.memory_space<semaphore_mem>>)
        %dma_start3A_130 = arith.constant 0 : i32
        %dma_start3A_131 = arith.constant 0 : i32
        %dma_start3A_132 = tpu.memref_slice %arg12[%dma_start3A_130, %dma_start3A_131] : memref<2x128xi32, #tpu.memory_space<vmem>> -> memref<1x128xi32, #tpu.memory_space<vmem>>
        %dma_start3A_133 = tpu.memref_squeeze %dma_start3A_132 : memref<1x128xi32, #tpu.memory_space<vmem>> -> memref<128xi32, #tpu.memory_space<vmem>>
        %dma_start3A_134 = tpu.memref_slice %arg4[%mul3A_121] : memref<320000xi32, #tpu.memory_space<hbm>> -> memref<128xi32, #tpu.memory_space<hbm>>
        %dma_start3A_135 = arith.constant 0 : i32
        %dma_start3A_136 = tpu.memref_slice %arg12[%dma_start3A_130, %dma_start3A_135] : memref<2x128xi32, #tpu.memory_space<vmem>> -> memref<1x128xi32, #tpu.memory_space<vmem>>
        %dma_start3A_137 = tpu.memref_squeeze %dma_start3A_136 : memref<1x128xi32, #tpu.memory_space<vmem>> -> memref<128xi32, #tpu.memory_space<vmem>>
        %dma_start3A_138 = tpu.memref_slice %arg4[%mul3A_121] : memref<320000xi32, #tpu.memory_space<hbm>> -> memref<128xi32, #tpu.memory_space<hbm>>
        tpu.enqueue_dma source(%dma_start3A_138 : memref<128xi32, #tpu.memory_space<hbm>>) target(%dma_start3A_137 : memref<128xi32, #tpu.memory_space<vmem>>) target_semaphore(%arg18 : memref<!tpu.dma_semaphore, #tpu.memory_space<semaphore_mem>>)
        %dma_wait3A_139 = arith.constant 0 : i32
        %dma_wait3A_140 = arith.constant 0 : i32
        %dma_wait3A_141 = tpu.memref_slice %arg11[%dma_wait3A_139, %dma_wait3A_140] : memref<2x128xi32, #tpu.memory_space<vmem>> -> memref<1x128xi32, #tpu.memory_space<vmem>>
        %dma_wait3A_142 = tpu.memref_squeeze %dma_wait3A_141 : memref<1x128xi32, #tpu.memory_space<vmem>> -> memref<128xi32, #tpu.memory_space<vmem>>
        %dma_wait3A_143 = arith.constant 0 : i32
        %dma_wait3A_144 = tpu.memref_slice %arg3[%dma_wait3A_143] : memref<320000xi32, #tpu.memory_space<hbm>> -> memref<128xi32, #tpu.memory_space<hbm>>
        %dma_wait3A_145 = arith.constant 0 : i32
        %dma_wait3A_146 = tpu.memref_slice %arg11[%dma_wait3A_139, %dma_wait3A_145] : memref<2x128xi32, #tpu.memory_space<vmem>> -> memref<1x128xi32, #tpu.memory_space<vmem>>
        %dma_wait3A_147 = tpu.memref_squeeze %dma_wait3A_146 : memref<1x128xi32, #tpu.memory_space<vmem>> -> memref<128xi32, #tpu.memory_space<vmem>>
        %dma_wait3A_148 = arith.constant 0 : i32
        %dma_wait3A_149 = tpu.memref_slice %arg3[%dma_wait3A_148] : memref<320000xi32, #tpu.memory_space<hbm>> -> memref<128xi32, #tpu.memory_space<hbm>>
        tpu.wait_dma2 semaphore(%arg18 : memref<!tpu.dma_semaphore, #tpu.memory_space<semaphore_mem>>) src(%dma_wait3A_149 : memref<128xi32, #tpu.memory_space<hbm>>) dst(%dma_wait3A_147 : memref<128xi32, #tpu.memory_space<vmem>>)
        %dma_wait3A_150 = arith.constant 0 : i32
        %dma_wait3A_151 = arith.constant 0 : i32
        %dma_wait3A_152 = tpu.memref_slice %arg12[%dma_wait3A_150, %dma_wait3A_151] : memref<2x128xi32, #tpu.memory_space<vmem>> -> memref<1x128xi32, #tpu.memory_space<vmem>>
        %dma_wait3A_153 = tpu.memref_squeeze %dma_wait3A_152 : memref<1x128xi32, #tpu.memory_space<vmem>> -> memref<128xi32, #tpu.memory_space<vmem>>
        %dma_wait3A_154 = arith.constant 0 : i32
        %dma_wait3A_155 = tpu.memref_slice %arg4[%dma_wait3A_154] : memref<320000xi32, #tpu.memory_space<hbm>> -> memref<128xi32, #tpu.memory_space<hbm>>
        %dma_wait3A_156 = arith.constant 0 : i32
        %dma_wait3A_157 = tpu.memref_slice %arg12[%dma_wait3A_150, %dma_wait3A_156] : memref<2x128xi32, #tpu.memory_space<vmem>> -> memref<1x128xi32, #tpu.memory_space<vmem>>
        %dma_wait3A_158 = tpu.memref_squeeze %dma_wait3A_157 : memref<1x128xi32, #tpu.memory_space<vmem>> -> memref<128xi32, #tpu.memory_space<vmem>>
        %dma_wait3A_159 = arith.constant 0 : i32
        %dma_wait3A_160 = tpu.memref_slice %arg4[%dma_wait3A_159] : memref<320000xi32, #tpu.memory_space<hbm>> -> memref<128xi32, #tpu.memory_space<hbm>>
        tpu.wait_dma2 semaphore(%arg18 : memref<!tpu.dma_semaphore, #tpu.memory_space<semaphore_mem>>) src(%dma_wait3A_160 : memref<128xi32, #tpu.memory_space<hbm>>) dst(%dma_wait3A_158 : memref<128xi32, #tpu.memory_space<vmem>>)
        %dma_start3A_161 = arith.constant 0 : i32
        %dma_start3A_162 = arith.constant 0 : i32
        %dma_start3A_163 = arith.constant 0 : i32
        %dma_start3A_164 = arith.constant 0 : i32
        %dma_start3A_165 = tpu.memref_slice %arg13[%dma_start3A_162, %dma_start3A_163, %dma_start3A_164] : memref<2x128x128xf32, #tpu.memory_space<vmem>> -> memref<1x128x128xf32, #tpu.memory_space<vmem>>
        %dma_start3A_166 = tpu.memref_squeeze %dma_start3A_165 : memref<1x128x128xf32, #tpu.memory_space<vmem>> -> memref<128x128xf32, #tpu.memory_space<vmem>>
        %dma_start3A_167 = arith.constant 0 : i32
        %dma_start3A_168 = tpu.memref_slice %arg11[%dma_start3A_161, %dma_start3A_167] : memref<2x128xi32, #tpu.memory_space<vmem>> -> memref<1x128xi32, #tpu.memory_space<vmem>>
        %dma_start3A_169 = tpu.memref_squeeze %dma_start3A_168 : memref<1x128xi32, #tpu.memory_space<vmem>> -> memref<128xi32, #tpu.memory_space<vmem>>
        %dma_start3A_170 = arith.constant 0 : i32
        %dma_start3A_171 = arith.constant 0 : i32
        %dma_start3A_172 = tpu.memref_slice %arg2[%dma_start3A_170, %dma_start3A_171] : memref<10000x128xf32, #tpu.memory_space<hbm>> -> memref<10000x128xf32, #tpu.memory_space<hbm>>
        tpu.enqueue_indirect_dma source(%dma_start3A_172 : memref<10000x128xf32, #tpu.memory_space<hbm>>) target(%dma_start3A_166 : memref<128x128xf32, #tpu.memory_space<vmem>>) offsets(%dma_start3A_169 : memref<128xi32, #tpu.memory_space<vmem>>) semaphore(%arg14 : memref<!tpu.dma_semaphore, #tpu.memory_space<semaphore_mem>>)
      } else {
      }
      %add3A_109 = arith.constant 1 : i32
      %add3A_110 = arith.addi %mul3A_84, %add3A_109 : i32
      %lt3A_111 = arith.cmpi slt, %add3A_110, %select_n3A : i32
      %convert_element_type3A_112 = arith.extui %lt3A_111 : i1 to i32
      %cond3A_113 = arith.constant 0 : i32
      %cond3A_114 = arith.cmpi ne, %convert_element_type3A_112, %cond3A_113 : i32
      scf.if %cond3A_114 {
        %dma_wait3A_115 = arith.constant 1 : i32
        %dma_wait3A_116 = arith.constant 1 : i32
        %dma_wait3A_117 = arith.constant 0 : i32
        %dma_wait3A_118 = arith.constant 0 : i32
        %dma_wait3A_119 = tpu.memref_slice %arg13[%dma_wait3A_116, %dma_wait3A_117, %dma_wait3A_118] : memref<2x128x128xf32, #tpu.memory_space<vmem>> -> memref<1x128x128xf32, #tpu.memory_space<vmem>>
        %dma_wait3A_120 = tpu.memref_squeeze %dma_wait3A_119 : memref<1x128x128xf32, #tpu.memory_space<vmem>> -> memref<128x128xf32, #tpu.memory_space<vmem>>
        %dma_wait3A_121 = arith.constant 0 : i32
        %dma_wait3A_122 = tpu.memref_slice %arg11[%dma_wait3A_115, %dma_wait3A_121] : memref<2x128xi32, #tpu.memory_space<vmem>> -> memref<1x128xi32, #tpu.memory_space<vmem>>
        %dma_wait3A_123 = tpu.memref_squeeze %dma_wait3A_122 : memref<1x128xi32, #tpu.memory_space<vmem>> -> memref<128xi32, #tpu.memory_space<vmem>>
        %dma_wait3A_124 = arith.constant 0 : i32
        %dma_wait3A_125 = arith.constant 0 : i32
        %dma_wait3A_126 = tpu.memref_slice %arg2[%dma_wait3A_124, %dma_wait3A_125] : memref<10000x128xf32, #tpu.memory_space<hbm>> -> memref<10000x128xf32, #tpu.memory_space<hbm>>
        tpu.wait_indirect_dma semaphore(%arg15 : memref<!tpu.dma_semaphore, #tpu.memory_space<semaphore_mem>>) src(%dma_wait3A_126 : memref<10000x128xf32, #tpu.memory_space<hbm>>) dst(%dma_wait3A_120 : memref<128x128xf32, #tpu.memory_space<vmem>>)
        %run_scoped3A_127 = arith.constant 1 : i32
        %run_scoped3A_128 = arith.constant 1 : i32
        "tpu.region"() ({
          %run_scoped3A_129 = tpu.sem_alloc : memref<!tpu.dma_semaphore, #tpu.memory_space<semaphore_mem>>
          %dma_start3A = arith.constant 0 : i32
          %dma_start3A_130 = arith.constant 0 : i32
          %dma_start3A_131 = tpu.memref_slice %arg13[%run_scoped3A_127, %dma_start3A, %dma_start3A_130] : memref<2x128x128xf32, #tpu.memory_space<vmem>> -> memref<1x128x128xf32, #tpu.memory_space<vmem>>
          %dma_start3A_132 = tpu.memref_squeeze %dma_start3A_131 : memref<1x128x128xf32, #tpu.memory_space<vmem>> -> memref<128x128xf32, #tpu.memory_space<vmem>>
          %dma_start3A_133 = arith.constant 0 : i32
          %dma_start3A_134 = tpu.memref_slice %arg12[%run_scoped3A_128, %dma_start3A_133] : memref<2x128xi32, #tpu.memory_space<vmem>> -> memref<1x128xi32, #tpu.memory_space<vmem>>
          %dma_start3A_135 = tpu.memref_squeeze %dma_start3A_134 : memref<1x128xi32, #tpu.memory_space<vmem>> -> memref<128xi32, #tpu.memory_space<vmem>>
          %dma_start3A_136 = arith.constant 0 : i32
          %dma_start3A_137 = arith.constant 0 : i32
          %dma_start3A_138 = tpu.memref_slice %arg10[%dma_start3A_136, %dma_start3A_137] : memref<10240x128xf32, #tpu.memory_space<vmem_shared>> -> memref<10240x128xf32, #tpu.memory_space<vmem_shared>>
          tpu.enqueue_indirect_dma source(%dma_start3A_132 : memref<128x128xf32, #tpu.memory_space<vmem>>) target(%dma_start3A_138 : memref<10240x128xf32, #tpu.memory_space<vmem_shared>>) offsets(%dma_start3A_135 : memref<128xi32, #tpu.memory_space<vmem>>) semaphore(%run_scoped3A_129 : memref<!tpu.dma_semaphore, #tpu.memory_space<semaphore_mem>>) {add = true}
          %dma_wait3A_139 = arith.constant 0 : i32
          %dma_wait3A_140 = arith.constant 0 : i32
          %dma_wait3A_141 = tpu.memref_slice %arg13[%run_scoped3A_127, %dma_wait3A_139, %dma_wait3A_140] : memref<2x128x128xf32, #tpu.memory_space<vmem>> -> memref<1x128x128xf32, #tpu.memory_space<vmem>>
          %dma_wait3A_142 = tpu.memref_squeeze %dma_wait3A_141 : memref<1x128x128xf32, #tpu.memory_space<vmem>> -> memref<128x128xf32, #tpu.memory_space<vmem>>
          %dma_wait3A_143 = arith.constant 0 : i32
          %dma_wait3A_144 = tpu.memref_slice %arg12[%run_scoped3A_128, %dma_wait3A_143] : memref<2x128xi32, #tpu.memory_space<vmem>> -> memref<1x128xi32, #tpu.memory_space<vmem>>
          %dma_wait3A_145 = tpu.memref_squeeze %dma_wait3A_144 : memref<1x128xi32, #tpu.memory_space<vmem>> -> memref<128xi32, #tpu.memory_space<vmem>>
          %dma_wait3A_146 = arith.constant 0 : i32
          %dma_wait3A_147 = arith.constant 0 : i32
          %dma_wait3A_148 = tpu.memref_slice %arg10[%dma_wait3A_146, %dma_wait3A_147] : memref<10240x128xf32, #tpu.memory_space<vmem_shared>> -> memref<10240x128xf32, #tpu.memory_space<vmem_shared>>
          tpu.wait_indirect_dma semaphore(%run_scoped3A_129 : memref<!tpu.dma_semaphore, #tpu.memory_space<semaphore_mem>>) src(%dma_wait3A_142 : memref<128x128xf32, #tpu.memory_space<vmem>>) dst(%dma_wait3A_148 : memref<10240x128xf32, #tpu.memory_space<vmem_shared>>)
          tpu.yield
        }) : () -> ()
      } else {
      }
    }
    %while3A_80 = arith.constant 1 : i32
    scf.for %while3A_82 = %while3A_78 to %while3A_74 step %while3A_80  : i32 {
      %mul3A_83 = arith.constant 2 : i32
      %mul3A_84 = arith.muli %mul3A_83, %while3A_82 : i32
      %add3A_85 = arith.constant 1 : i32
      %add3A_86 = arith.addi %mul3A_84, %add3A_85 : i32
      %lt3A = arith.cmpi slt, %add3A_86, %select_n3A : i32
      %convert_element_type3A_87 = arith.extui %lt3A : i1 to i32
      %cond3A_88 = arith.constant 0 : i32
      %cond3A_89 = arith.cmpi ne, %convert_element_type3A_87, %cond3A_88 : i32
      scf.if %cond3A_89 {
        %add3A_115 = arith.constant 1 : i32
        %add3A_116 = arith.addi %mul3A_84, %add3A_115 : i32
        %mul3A_117 = arith.constant 32 : i32
        %mul3A_118 = arith.muli %add3A_116, %mul3A_117 : i32
        %add3A_119 = arith.addi %add3A, %mul3A_118 : i32
        %mul3A_120 = arith.constant 128 : i32
        %mul3A_121 = arith.muli %add3A_119, %mul3A_120 : i32
        %dma_start3A = arith.constant 1 : i32
        %dma_start3A_122 = arith.constant 0 : i32
        %dma_start3A_123 = tpu.memref_slice %arg11[%dma_start3A, %dma_start3A_122] : memref<2x128xi32, #tpu.memory_space<vmem>> -> memref<1x128xi32, #tpu.memory_space<vmem>>
        %dma_start3A_124 = tpu.memref_squeeze %dma_start3A_123 : memref<1x128xi32, #tpu.memory_space<vmem>> -> memref<128xi32, #tpu.memory_space<vmem>>
        %dma_start3A_125 = tpu.memref_slice %arg3[%mul3A_121] : memref<320000xi32, #tpu.memory_space<hbm>> -> memref<128xi32, #tpu.memory_space<hbm>>
        %dma_start3A_126 = arith.constant 0 : i32
        %dma_start3A_127 = tpu.memref_slice %arg11[%dma_start3A, %dma_start3A_126] : memref<2x128xi32, #tpu.memory_space<vmem>> -> memref<1x128xi32, #tpu.memory_space<vmem>>
        %dma_start3A_128 = tpu.memref_squeeze %dma_start3A_127 : memref<1x128xi32, #tpu.memory_space<vmem>> -> memref<128xi32, #tpu.memory_space<vmem>>
        %dma_start3A_129 = tpu.memref_slice %arg3[%mul3A_121] : memref<320000xi32, #tpu.memory_space<hbm>> -> memref<128xi32, #tpu.memory_space<hbm>>
        tpu.enqueue_dma source(%dma_start3A_129 : memref<128xi32, #tpu.memory_space<hbm>>) target(%dma_start3A_128 : memref<128xi32, #tpu.memory_space<vmem>>) target_semaphore(%arg18 : memref<!tpu.dma_semaphore, #tpu.memory_space<semaphore_mem>>)
        %dma_start3A_130 = arith.constant 1 : i32
        %dma_start3A_131 = arith.constant 0 : i32
        %dma_start3A_132 = tpu.memref_slice %arg12[%dma_start3A_130, %dma_start3A_131] : memref<2x128xi32, #tpu.memory_space<vmem>> -> memref<1x128xi32, #tpu.memory_space<vmem>>
        %dma_start3A_133 = tpu.memref_squeeze %dma_start3A_132 : memref<1x128xi32, #tpu.memory_space<vmem>> -> memref<128xi32, #tpu.memory_space<vmem>>
        %dma_start3A_134 = tpu.memref_slice %arg4[%mul3A_121] : memref<320000xi32, #tpu.memory_space<hbm>> -> memref<128xi32, #tpu.memory_space<hbm>>
        %dma_start3A_135 = arith.constant 0 : i32
        %dma_start3A_136 = tpu.memref_slice %arg12[%dma_start3A_130, %dma_start3A_135] : memref<2x128xi32, #tpu.memory_space<vmem>> -> memref<1x128xi32, #tpu.memory_space<vmem>>
        %dma_start3A_137 = tpu.memref_squeeze %dma_start3A_136 : memref<1x128xi32, #tpu.memory_space<vmem>> -> memref<128xi32, #tpu.memory_space<vmem>>
        %dma_start3A_138 = tpu.memref_slice %arg4[%mul3A_121] : memref<320000xi32, #tpu.memory_space<hbm>> -> memref<128xi32, #tpu.memory_space<hbm>>
        tpu.enqueue_dma source(%dma_start3A_138 : memref<128xi32, #tpu.memory_space<hbm>>) target(%dma_start3A_137 : memref<128xi32, #tpu.memory_space<vmem>>) target_semaphore(%arg18 : memref<!tpu.dma_semaphore, #tpu.memory_space<semaphore_mem>>)
        %dma_wait3A_139 = arith.constant 1 : i32
        %dma_wait3A_140 = arith.constant 0 : i32
        %dma_wait3A_141 = tpu.memref_slice %arg11[%dma_wait3A_139, %dma_wait3A_140] : memref<2x128xi32, #tpu.memory_space<vmem>> -> memref<1x128xi32, #tpu.memory_space<vmem>>
        %dma_wait3A_142 = tpu.memref_squeeze %dma_wait3A_141 : memref<1x128xi32, #tpu.memory_space<vmem>> -> memref<128xi32, #tpu.memory_space<vmem>>
        %dma_wait3A_143 = arith.constant 0 : i32
        %dma_wait3A_144 = tpu.memref_slice %arg3[%dma_wait3A_143] : memref<320000xi32, #tpu.memory_space<hbm>> -> memref<128xi32, #tpu.memory_space<hbm>>
        %dma_wait3A_145 = arith.constant 0 : i32
        %dma_wait3A_146 = tpu.memref_slice %arg11[%dma_wait3A_139, %dma_wait3A_145] : memref<2x128xi32, #tpu.memory_space<vmem>> -> memref<1x128xi32, #tpu.memory_space<vmem>>
        %dma_wait3A_147 = tpu.memref_squeeze %dma_wait3A_146 : memref<1x128xi32, #tpu.memory_space<vmem>> -> memref<128xi32, #tpu.memory_space<vmem>>
        %dma_wait3A_148 = arith.constant 0 : i32
        %dma_wait3A_149 = tpu.memref_slice %arg3[%dma_wait3A_148] : memref<320000xi32, #tpu.memory_space<hbm>> -> memref<128xi32, #tpu.memory_space<hbm>>
        tpu.wait_dma2 semaphore(%arg18 : memref<!tpu.dma_semaphore, #tpu.memory_space<semaphore_mem>>) src(%dma_wait3A_149 : memref<128xi32, #tpu.memory_space<hbm>>) dst(%dma_wait3A_147 : memref<128xi32, #tpu.memory_space<vmem>>)
        %dma_wait3A_150 = arith.constant 1 : i32
        %dma_wait3A_151 = arith.constant 0 : i32
        %dma_wait3A_152 = tpu.memref_slice %arg12[%dma_wait3A_150, %dma_wait3A_151] : memref<2x128xi32, #tpu.memory_space<vmem>> -> memref<1x128xi32, #tpu.memory_space<vmem>>
        %dma_wait3A_153 = tpu.memref_squeeze %dma_wait3A_152 : memref<1x128xi32, #tpu.memory_space<vmem>> -> memref<128xi32, #tpu.memory_space<vmem>>
        %dma_wait3A_154 = arith.constant 0 : i32
        %dma_wait3A_155 = tpu.memref_slice %arg4[%dma_wait3A_154] : memref<320000xi32, #tpu.memory_space<hbm>> -> memref<128xi32, #tpu.memory_space<hbm>>
        %dma_wait3A_156 = arith.constant 0 : i32
        %dma_wait3A_157 = tpu.memref_slice %arg12[%dma_wait3A_150, %dma_wait3A_156] : memref<2x128xi32, #tpu.memory_space<vmem>> -> memref<1x128xi32, #tpu.memory_space<vmem>>
        %dma_wait3A_158 = tpu.memref_squeeze %dma_wait3A_157 : memref<1x128xi32, #tpu.memory_space<vmem>> -> memref<128xi32, #tpu.memory_space<vmem>>
        %dma_wait3A_159 = arith.constant 0 : i32
        %dma_wait3A_160 = tpu.memref_slice %arg4[%dma_wait3A_159] : memref<320000xi32, #tpu.memory_space<hbm>> -> memref<128xi32, #tpu.memory_space<hbm>>
        tpu.wait_dma2 semaphore(%arg18 : memref<!tpu.dma_semaphore, #tpu.memory_space<semaphore_mem>>) src(%dma_wait3A_160 : memref<128xi32, #tpu.memory_space<hbm>>) dst(%dma_wait3A_158 : memref<128xi32, #tpu.memory_space<vmem>>)
        %dma_start3A_161 = arith.constant 1 : i32
        %dma_start3A_162 = arith.constant 1 : i32
        %dma_start3A_163 = arith.constant 0 : i32
        %dma_start3A_164 = arith.constant 0 : i32
        %dma_start3A_165 = tpu.memref_slice %arg13[%dma_start3A_162, %dma_start3A_163, %dma_start3A_164] : memref<2x128x128xf32, #tpu.memory_space<vmem>> -> memref<1x128x128xf32, #tpu.memory_space<vmem>>
        %dma_start3A_166 = tpu.memref_squeeze %dma_start3A_165 : memref<1x128x128xf32, #tpu.memory_space<vmem>> -> memref<128x128xf32, #tpu.memory_space<vmem>>
        %dma_start3A_167 = arith.constant 0 : i32
        %dma_start3A_168 = tpu.memref_slice %arg11[%dma_start3A_161, %dma_start3A_167] : memref<2x128xi32, #tpu.memory_space<vmem>> -> memref<1x128xi32, #tpu.memory_space<vmem>>
        %dma_start3A_169 = tpu.memref_squeeze %dma_start3A_168 : memref<1x128xi32, #tpu.memory_space<vmem>> -> memref<128xi32, #tpu.memory_space<vmem>>
        %dma_start3A_170 = arith.constant 0 : i32
        %dma_start3A_171 = arith.constant 0 : i32
        %dma_start3A_172 = tpu.memref_slice %arg2[%dma_start3A_170, %dma_start3A_171] : memref<10000x128xf32, #tpu.memory_space<hbm>> -> memref<10000x128xf32, #tpu.memory_space<hbm>>
        tpu.enqueue_indirect_dma source(%dma_start3A_172 : memref<10000x128xf32, #tpu.memory_space<hbm>>) target(%dma_start3A_166 : memref<128x128xf32, #tpu.memory_space<vmem>>) offsets(%dma_start3A_169 : memref<128xi32, #tpu.memory_space<vmem>>) semaphore(%arg15 : memref<!tpu.dma_semaphore, #tpu.memory_space<semaphore_mem>>)
      } else {
      }
      %dma_wait3A = arith.constant 0 : i32
      %dma_wait3A_90 = arith.constant 0 : i32
      %dma_wait3A_91 = arith.constant 0 : i32
      %dma_wait3A_92 = arith.constant 0 : i32
      %dma_wait3A_93 = tpu.memref_slice %arg13[%dma_wait3A_90, %dma_wait3A_91, %dma_wait3A_92] : memref<2x128x128xf32, #tpu.memory_space<vmem>> -> memref<1x128x128xf32, #tpu.memory_space<vmem>>
      %dma_wait3A_94 = tpu.memref_squeeze %dma_wait3A_93 : memref<1x128x128xf32, #tpu.memory_space<vmem>> -> memref<128x128xf32, #tpu.memory_space<vmem>>
      %dma_wait3A_95 = arith.constant 0 : i32
      %dma_wait3A_96 = tpu.memref_slice %arg11[%dma_wait3A, %dma_wait3A_95] : memref<2x128xi32, #tpu.memory_space<vmem>> -> memref<1x128xi32, #tpu.memory_space<vmem>>
      %dma_wait3A_97 = tpu.memref_squeeze %dma_wait3A_96 : memref<1x128xi32, #tpu.memory_space<vmem>> -> memref<128xi32, #tpu.memory_space<vmem>>
      %dma_wait3A_98 = arith.constant 0 : i32
      %dma_wait3A_99 = arith.constant 0 : i32
      %dma_wait3A_100 = tpu.memref_slice %arg2[%dma_wait3A_98, %dma_wait3A_99] : memref<10000x128xf32, #tpu.memory_space<hbm>> -> memref<10000x128xf32, #tpu.memory_space<hbm>>
      tpu.wait_indirect_dma semaphore(%arg14 : memref<!tpu.dma_semaphore, #tpu.memory_space<semaphore_mem>>) src(%dma_wait3A_100 : memref<10000x128xf32, #tpu.memory_space<hbm>>) dst(%dma_wait3A_94 : memref<128x128xf32, #tpu.memory_space<vmem>>)
      %run_scoped3A_101 = arith.constant 0 : i32
      %run_scoped3A_102 = arith.constant 0 : i32
      "tpu.region"() ({
        %run_scoped3A_115 = tpu.sem_alloc : memref<!tpu.dma_semaphore, #tpu.memory_space<semaphore_mem>>
        %dma_start3A = arith.constant 0 : i32
        %dma_start3A_116 = arith.constant 0 : i32
        %dma_start3A_117 = tpu.memref_slice %arg13[%run_scoped3A_101, %dma_start3A, %dma_start3A_116] : memref<2x128x128xf32, #tpu.memory_space<vmem>> -> memref<1x128x128xf32, #tpu.memory_space<vmem>>
        %dma_start3A_118 = tpu.memref_squeeze %dma_start3A_117 : memref<1x128x128xf32, #tpu.memory_space<vmem>> -> memref<128x128xf32, #tpu.memory_space<vmem>>
        %dma_start3A_119 = arith.constant 0 : i32
        %dma_start3A_120 = tpu.memref_slice %arg12[%run_scoped3A_102, %dma_start3A_119] : memref<2x128xi32, #tpu.memory_space<vmem>> -> memref<1x128xi32, #tpu.memory_space<vmem>>
        %dma_start3A_121 = tpu.memref_squeeze %dma_start3A_120 : memref<1x128xi32, #tpu.memory_space<vmem>> -> memref<128xi32, #tpu.memory_space<vmem>>
        %dma_start3A_122 = arith.constant 0 : i32
        %dma_start3A_123 = arith.constant 0 : i32
        %dma_start3A_124 = tpu.memref_slice %arg10[%dma_start3A_122, %dma_start3A_123] : memref<10240x128xf32, #tpu.memory_space<vmem_shared>> -> memref<10240x128xf32, #tpu.memory_space<vmem_shared>>
        tpu.enqueue_indirect_dma source(%dma_start3A_118 : memref<128x128xf32, #tpu.memory_space<vmem>>) target(%dma_start3A_124 : memref<10240x128xf32, #tpu.memory_space<vmem_shared>>) offsets(%dma_start3A_121 : memref<128xi32, #tpu.memory_space<vmem>>) semaphore(%run_scoped3A_115 : memref<!tpu.dma_semaphore, #tpu.memory_space<semaphore_mem>>) {add = true}
        %dma_wait3A_125 = arith.constant 0 : i32
        %dma_wait3A_126 = arith.constant 0 : i32
        %dma_wait3A_127 = tpu.memref_slice %arg13[%run_scoped3A_101, %dma_wait3A_125, %dma_wait3A_126] : memref<2x128x128xf32, #tpu.memory_space<vmem>> -> memref<1x128x128xf32, #tpu.memory_space<vmem>>
        %dma_wait3A_128 = tpu.memref_squeeze %dma_wait3A_127 : memref<1x128x128xf32, #tpu.memory_space<vmem>> -> memref<128x128xf32, #tpu.memory_space<vmem>>
        %dma_wait3A_129 = arith.constant 0 : i32
        %dma_wait3A_130 = tpu.memref_slice %arg12[%run_scoped3A_102, %dma_wait3A_129] : memref<2x128xi32, #tpu.memory_space<vmem>> -> memref<1x128xi32, #tpu.memory_space<vmem>>
        %dma_wait3A_131 = tpu.memref_squeeze %dma_wait3A_130 : memref<1x128xi32, #tpu.memory_space<vmem>> -> memref<128xi32, #tpu.memory_space<vmem>>
        %dma_wait3A_132 = arith.constant 0 : i32
        %dma_wait3A_133 = arith.constant 0 : i32
        %dma_wait3A_134 = tpu.memref_slice %arg10[%dma_wait3A_132, %dma_wait3A_133] : memref<10240x128xf32, #tpu.memory_space<vmem_shared>> -> memref<10240x128xf32, #tpu.memory_space<vmem_shared>>
        tpu.wait_indirect_dma semaphore(%run_scoped3A_115 : memref<!tpu.dma_semaphore, #tpu.memory_space<semaphore_mem>>) src(%dma_wait3A_128 : memref<128x128xf32, #tpu.memory_space<vmem>>) dst(%dma_wait3A_134 : memref<10240x128xf32, #tpu.memory_space<vmem_shared>>)
        tpu.yield
      }) : () -> ()
      %add3A_103 = arith.constant 2 : i32
      %add3A_104 = arith.addi %mul3A_84, %add3A_103 : i32
      %lt3A_105 = arith.cmpi slt, %add3A_104, %select_n3A : i32
      %convert_element_type3A_106 = arith.extui %lt3A_105 : i1 to i32
      %cond3A_107 = arith.constant 0 : i32
      %cond3A_108 = arith.cmpi ne, %convert_element_type3A_106, %cond3A_107 : i32
      scf.if %cond3A_108 {
        %add3A_115 = arith.constant 2 : i32
        %add3A_116 = arith.addi %mul3A_84, %add3A_115 : i32
        %mul3A_117 = arith.constant 32 : i32
        %mul3A_118 = arith.muli %add3A_116, %mul3A_117 : i32
        %add3A_119 = arith.addi %add3A, %mul3A_118 : i32
        %mul3A_120 = arith.constant 128 : i32
        %mul3A_121 = arith.muli %add3A_119, %mul3A_120 : i32
        %dma_start3A = arith.constant 0 : i32
        %dma_start3A_122 = arith.constant 0 : i32
        %dma_start3A_123 = tpu.memref_slice %arg11[%dma_start3A, %dma_start3A_122] : memref<2x128xi32, #tpu.memory_space<vmem>> -> memref<1x128xi32, #tpu.memory_space<vmem>>
        %dma_start3A_124 = tpu.memref_squeeze %dma_start3A_123 : memref<1x128xi32, #tpu.memory_space<vmem>> -> memref<128xi32, #tpu.memory_space<vmem>>
        %dma_start3A_125 = tpu.memref_slice %arg3[%mul3A_121] : memref<320000xi32, #tpu.memory_space<hbm>> -> memref<128xi32, #tpu.memory_space<hbm>>
        %dma_start3A_126 = arith.constant 0 : i32
        %dma_start3A_127 = tpu.memref_slice %arg11[%dma_start3A, %dma_start3A_126] : memref<2x128xi32, #tpu.memory_space<vmem>> -> memref<1x128xi32, #tpu.memory_space<vmem>>
        %dma_start3A_128 = tpu.memref_squeeze %dma_start3A_127 : memref<1x128xi32, #tpu.memory_space<vmem>> -> memref<128xi32, #tpu.memory_space<vmem>>
        %dma_start3A_129 = tpu.memref_slice %arg3[%mul3A_121] : memref<320000xi32, #tpu.memory_space<hbm>> -> memref<128xi32, #tpu.memory_space<hbm>>
        tpu.enqueue_dma source(%dma_start3A_129 : memref<128xi32, #tpu.memory_space<hbm>>) target(%dma_start3A_128 : memref<128xi32, #tpu.memory_space<vmem>>) target_semaphore(%arg18 : memref<!tpu.dma_semaphore, #tpu.memory_space<semaphore_mem>>)
        %dma_start3A_130 = arith.constant 0 : i32
        %dma_start3A_131 = arith.constant 0 : i32
        %dma_start3A_132 = tpu.memref_slice %arg12[%dma_start3A_130, %dma_start3A_131] : memref<2x128xi32, #tpu.memory_space<vmem>> -> memref<1x128xi32, #tpu.memory_space<vmem>>
        %dma_start3A_133 = tpu.memref_squeeze %dma_start3A_132 : memref<1x128xi32, #tpu.memory_space<vmem>> -> memref<128xi32, #tpu.memory_space<vmem>>
        %dma_start3A_134 = tpu.memref_slice %arg4[%mul3A_121] : memref<320000xi32, #tpu.memory_space<hbm>> -> memref<128xi32, #tpu.memory_space<hbm>>
        %dma_start3A_135 = arith.constant 0 : i32
        %dma_start3A_136 = tpu.memref_slice %arg12[%dma_start3A_130, %dma_start3A_135] : memref<2x128xi32, #tpu.memory_space<vmem>> -> memref<1x128xi32, #tpu.memory_space<vmem>>
        %dma_start3A_137 = tpu.memref_squeeze %dma_start3A_136 : memref<1x128xi32, #tpu.memory_space<vmem>> -> memref<128xi32, #tpu.memory_space<vmem>>
        %dma_start3A_138 = tpu.memref_slice %arg4[%mul3A_121] : memref<320000xi32, #tpu.memory_space<hbm>> -> memref<128xi32, #tpu.memory_space<hbm>>
        tpu.enqueue_dma source(%dma_start3A_138 : memref<128xi32, #tpu.memory_space<hbm>>) target(%dma_start3A_137 : memref<128xi32, #tpu.memory_space<vmem>>) target_semaphore(%arg18 : memref<!tpu.dma_semaphore, #tpu.memory_space<semaphore_mem>>)
        %dma_wait3A_139 = arith.constant 0 : i32
        %dma_wait3A_140 = arith.constant 0 : i32
        %dma_wait3A_141 = tpu.memref_slice %arg11[%dma_wait3A_139, %dma_wait3A_140] : memref<2x128xi32, #tpu.memory_space<vmem>> -> memref<1x128xi32, #tpu.memory_space<vmem>>
        %dma_wait3A_142 = tpu.memref_squeeze %dma_wait3A_141 : memref<1x128xi32, #tpu.memory_space<vmem>> -> memref<128xi32, #tpu.memory_space<vmem>>
        %dma_wait3A_143 = arith.constant 0 : i32
        %dma_wait3A_144 = tpu.memref_slice %arg3[%dma_wait3A_143] : memref<320000xi32, #tpu.memory_space<hbm>> -> memref<128xi32, #tpu.memory_space<hbm>>
        %dma_wait3A_145 = arith.constant 0 : i32
        %dma_wait3A_146 = tpu.memref_slice %arg11[%dma_wait3A_139, %dma_wait3A_145] : memref<2x128xi32, #tpu.memory_space<vmem>> -> memref<1x128xi32, #tpu.memory_space<vmem>>
        %dma_wait3A_147 = tpu.memref_squeeze %dma_wait3A_146 : memref<1x128xi32, #tpu.memory_space<vmem>> -> memref<128xi32, #tpu.memory_space<vmem>>
        %dma_wait3A_148 = arith.constant 0 : i32
        %dma_wait3A_149 = tpu.memref_slice %arg3[%dma_wait3A_148] : memref<320000xi32, #tpu.memory_space<hbm>> -> memref<128xi32, #tpu.memory_space<hbm>>
        tpu.wait_dma2 semaphore(%arg18 : memref<!tpu.dma_semaphore, #tpu.memory_space<semaphore_mem>>) src(%dma_wait3A_149 : memref<128xi32, #tpu.memory_space<hbm>>) dst(%dma_wait3A_147 : memref<128xi32, #tpu.memory_space<vmem>>)
        %dma_wait3A_150 = arith.constant 0 : i32
        %dma_wait3A_151 = arith.constant 0 : i32
        %dma_wait3A_152 = tpu.memref_slice %arg12[%dma_wait3A_150, %dma_wait3A_151] : memref<2x128xi32, #tpu.memory_space<vmem>> -> memref<1x128xi32, #tpu.memory_space<vmem>>
        %dma_wait3A_153 = tpu.memref_squeeze %dma_wait3A_152 : memref<1x128xi32, #tpu.memory_space<vmem>> -> memref<128xi32, #tpu.memory_space<vmem>>
        %dma_wait3A_154 = arith.constant 0 : i32
        %dma_wait3A_155 = tpu.memref_slice %arg4[%dma_wait3A_154] : memref<320000xi32, #tpu.memory_space<hbm>> -> memref<128xi32, #tpu.memory_space<hbm>>
        %dma_wait3A_156 = arith.constant 0 : i32
        %dma_wait3A_157 = tpu.memref_slice %arg12[%dma_wait3A_150, %dma_wait3A_156] : memref<2x128xi32, #tpu.memory_space<vmem>> -> memref<1x128xi32, #tpu.memory_space<vmem>>
        %dma_wait3A_158 = tpu.memref_squeeze %dma_wait3A_157 : memref<1x128xi32, #tpu.memory_space<vmem>> -> memref<128xi32, #tpu.memory_space<vmem>>
        %dma_wait3A_159 = arith.constant 0 : i32
        %dma_wait3A_160 = tpu.memref_slice %arg4[%dma_wait3A_159] : memref<320000xi32, #tpu.memory_space<hbm>> -> memref<128xi32, #tpu.memory_space<hbm>>
        tpu.wait_dma2 semaphore(%arg18 : memref<!tpu.dma_semaphore, #tpu.memory_space<semaphore_mem>>) src(%dma_wait3A_160 : memref<128xi32, #tpu.memory_space<hbm>>) dst(%dma_wait3A_158 : memref<128xi32, #tpu.memory_space<vmem>>)
        %dma_start3A_161 = arith.constant 0 : i32
        %dma_start3A_162 = arith.constant 0 : i32
        %dma_start3A_163 = arith.constant 0 : i32
        %dma_start3A_164 = arith.constant 0 : i32
        %dma_start3A_165 = tpu.memref_slice %arg13[%dma_start3A_162, %dma_start3A_163, %dma_start3A_164] : memref<2x128x128xf32, #tpu.memory_space<vmem>> -> memref<1x128x128xf32, #tpu.memory_space<vmem>>
        %dma_start3A_166 = tpu.memref_squeeze %dma_start3A_165 : memref<1x128x128xf32, #tpu.memory_space<vmem>> -> memref<128x128xf32, #tpu.memory_space<vmem>>
        %dma_start3A_167 = arith.constant 0 : i32
        %dma_start3A_168 = tpu.memref_slice %arg11[%dma_start3A_161, %dma_start3A_167] : memref<2x128xi32, #tpu.memory_space<vmem>> -> memref<1x128xi32, #tpu.memory_space<vmem>>
        %dma_start3A_169 = tpu.memref_squeeze %dma_start3A_168 : memref<1x128xi32, #tpu.memory_space<vmem>> -> memref<128xi32, #tpu.memory_space<vmem>>
        %dma_start3A_170 = arith.constant 0 : i32
        %dma_start3A_171 = arith.constant 0 : i32
        %dma_start3A_172 = tpu.memref_slice %arg2[%dma_start3A_170, %dma_start3A_171] : memref<10000x128xf32, #tpu.memory_space<hbm>> -> memref<10000x128xf32, #tpu.memory_space<hbm>>
        tpu.enqueue_indirect_dma source(%dma_start3A_172 : memref<10000x128xf32, #tpu.memory_space<hbm>>) target(%dma_start3A_166 : memref<128x128xf32, #tpu.memory_space<vmem>>) offsets(%dma_start3A_169 : memref<128xi32, #tpu.memory_space<vmem>>) semaphore(%arg14 : memref<!tpu.dma_semaphore, #tpu.memory_space<semaphore_mem>>)
      } else {
      }
      %add3A_109 = arith.constant 1 : i32
      %add3A_110 = arith.addi %mul3A_84, %add3A_109 : i32
      %lt3A_111 = arith.cmpi slt, %add3A_110, %select_n3A : i32
      %convert_element_type3A_112 = arith.extui %lt3A_111 : i1 to i32
      %cond3A_113 = arith.constant 0 : i32
      %cond3A_114 = arith.cmpi ne, %convert_element_type3A_112, %cond3A_113 : i32
      scf.if %cond3A_114 {
        %dma_wait3A_115 = arith.constant 1 : i32
        %dma_wait3A_116 = arith.constant 1 : i32
        %dma_wait3A_117 = arith.constant 0 : i32
        %dma_wait3A_118 = arith.constant 0 : i32
        %dma_wait3A_119 = tpu.memref_slice %arg13[%dma_wait3A_116, %dma_wait3A_117, %dma_wait3A_118] : memref<2x128x128xf32, #tpu.memory_space<vmem>> -> memref<1x128x128xf32, #tpu.memory_space<vmem>>
        %dma_wait3A_120 = tpu.memref_squeeze %dma_wait3A_119 : memref<1x128x128xf32, #tpu.memory_space<vmem>> -> memref<128x128xf32, #tpu.memory_space<vmem>>
        %dma_wait3A_121 = arith.constant 0 : i32
        %dma_wait3A_122 = tpu.memref_slice %arg11[%dma_wait3A_115, %dma_wait3A_121] : memref<2x128xi32, #tpu.memory_space<vmem>> -> memref<1x128xi32, #tpu.memory_space<vmem>>
        %dma_wait3A_123 = tpu.memref_squeeze %dma_wait3A_122 : memref<1x128xi32, #tpu.memory_space<vmem>> -> memref<128xi32, #tpu.memory_space<vmem>>
        %dma_wait3A_124 = arith.constant 0 : i32
        %dma_wait3A_125 = arith.constant 0 : i32
        %dma_wait3A_126 = tpu.memref_slice %arg2[%dma_wait3A_124, %dma_wait3A_125] : memref<10000x128xf32, #tpu.memory_space<hbm>> -> memref<10000x128xf32, #tpu.memory_space<hbm>>
        tpu.wait_indirect_dma semaphore(%arg15 : memref<!tpu.dma_semaphore, #tpu.memory_space<semaphore_mem>>) src(%dma_wait3A_126 : memref<10000x128xf32, #tpu.memory_space<hbm>>) dst(%dma_wait3A_120 : memref<128x128xf32, #tpu.memory_space<vmem>>)
        %run_scoped3A_127 = arith.constant 1 : i32
        %run_scoped3A_128 = arith.constant 1 : i32
        "tpu.region"() ({
          %run_scoped3A_129 = tpu.sem_alloc : memref<!tpu.dma_semaphore, #tpu.memory_space<semaphore_mem>>
          %dma_start3A = arith.constant 0 : i32
          %dma_start3A_130 = arith.constant 0 : i32
          %dma_start3A_131 = tpu.memref_slice %arg13[%run_scoped3A_127, %dma_start3A, %dma_start3A_130] : memref<2x128x128xf32, #tpu.memory_space<vmem>> -> memref<1x128x128xf32, #tpu.memory_space<vmem>>
          %dma_start3A_132 = tpu.memref_squeeze %dma_start3A_131 : memref<1x128x128xf32, #tpu.memory_space<vmem>> -> memref<128x128xf32, #tpu.memory_space<vmem>>
          %dma_start3A_133 = arith.constant 0 : i32
          %dma_start3A_134 = tpu.memref_slice %arg12[%run_scoped3A_128, %dma_start3A_133] : memref<2x128xi32, #tpu.memory_space<vmem>> -> memref<1x128xi32, #tpu.memory_space<vmem>>
          %dma_start3A_135 = tpu.memref_squeeze %dma_start3A_134 : memref<1x128xi32, #tpu.memory_space<vmem>> -> memref<128xi32, #tpu.memory_space<vmem>>
          %dma_start3A_136 = arith.constant 0 : i32
          %dma_start3A_137 = arith.constant 0 : i32
          %dma_start3A_138 = tpu.memref_slice %arg10[%dma_start3A_136, %dma_start3A_137] : memref<10240x128xf32, #tpu.memory_space<vmem_shared>> -> memref<10240x128xf32, #tpu.memory_space<vmem_shared>>
          tpu.enqueue_indirect_dma source(%dma_start3A_132 : memref<128x128xf32, #tpu.memory_space<vmem>>) target(%dma_start3A_138 : memref<10240x128xf32, #tpu.memory_space<vmem_shared>>) offsets(%dma_start3A_135 : memref<128xi32, #tpu.memory_space<vmem>>) semaphore(%run_scoped3A_129 : memref<!tpu.dma_semaphore, #tpu.memory_space<semaphore_mem>>) {add = true}
          %dma_wait3A_139 = arith.constant 0 : i32
          %dma_wait3A_140 = arith.constant 0 : i32
          %dma_wait3A_141 = tpu.memref_slice %arg13[%run_scoped3A_127, %dma_wait3A_139, %dma_wait3A_140] : memref<2x128x128xf32, #tpu.memory_space<vmem>> -> memref<1x128x128xf32, #tpu.memory_space<vmem>>
          %dma_wait3A_142 = tpu.memref_squeeze %dma_wait3A_141 : memref<1x128x128xf32, #tpu.memory_space<vmem>> -> memref<128x128xf32, #tpu.memory_space<vmem>>
          %dma_wait3A_143 = arith.constant 0 : i32
          %dma_wait3A_144 = tpu.memref_slice %arg12[%run_scoped3A_128, %dma_wait3A_143] : memref<2x128xi32, #tpu.memory_space<vmem>> -> memref<1x128xi32, #tpu.memory_space<vmem>>
          %dma_wait3A_145 = tpu.memref_squeeze %dma_wait3A_144 : memref<1x128xi32, #tpu.memory_space<vmem>> -> memref<128xi32, #tpu.memory_space<vmem>>
          %dma_wait3A_146 = arith.constant 0 : i32
          %dma_wait3A_147 = arith.constant 0 : i32
          %dma_wait3A_148 = tpu.memref_slice %arg10[%dma_wait3A_146, %dma_wait3A_147] : memref<10240x128xf32, #tpu.memory_space<vmem_shared>> -> memref<10240x128xf32, #tpu.memory_space<vmem_shared>>
          tpu.wait_indirect_dma semaphore(%run_scoped3A_129 : memref<!tpu.dma_semaphore, #tpu.memory_space<semaphore_mem>>) src(%dma_wait3A_142 : memref<128x128xf32, #tpu.memory_space<vmem>>) dst(%dma_wait3A_148 : memref<10240x128xf32, #tpu.memory_space<vmem_shared>>)
          tpu.yield
        }) : () -> ()
      } else {
      }
    }
    %barrier3A_81 = arith.constant 0 : index
    tpu.barrier barrier_id(%barrier3A_81)
    "tpu.region"() ({
      %run_scoped3A_82 = tpu.sem_alloc : memref<!tpu.dma_semaphore, #tpu.memory_space<semaphore_mem>>
      %dma_start3A = arith.constant 0 : i32
      %dma_start3A_83 = tpu.memref_slice %arg8[%arg0, %mul3A_2, %dma_start3A] : memref<2x10240x128xf32, #tpu.memory_space<hbm>> -> memref<1x640x128xf32, #tpu.memory_space<hbm>>
      %dma_start3A_84 = tpu.memref_squeeze %dma_start3A_83 : memref<1x640x128xf32, #tpu.memory_space<hbm>> -> memref<640x128xf32, #tpu.memory_space<hbm>>
      %dma_start3A_85 = arith.constant 0 : i32
      %dma_start3A_86 = tpu.memref_slice %arg10[%mul3A_2, %dma_start3A_85] : memref<10240x128xf32, #tpu.memory_space<vmem_shared>> -> memref<640x128xf32, #tpu.memory_space<vmem_shared>>
      tpu.enqueue_dma source(%dma_start3A_86 : memref<640x128xf32, #tpu.memory_space<vmem_shared>>) target(%dma_start3A_84 : memref<640x128xf32, #tpu.memory_space<hbm>>) target_semaphore(%run_scoped3A_82 : memref<!tpu.dma_semaphore, #tpu.memory_space<semaphore_mem>>)
      %dma_wait3A = arith.constant 0 : i32
      %dma_wait3A_87 = tpu.memref_slice %arg8[%arg0, %mul3A_2, %dma_wait3A] : memref<2x10240x128xf32, #tpu.memory_space<hbm>> -> memref<1x640x128xf32, #tpu.memory_space<hbm>>
      %dma_wait3A_88 = tpu.memref_squeeze %dma_wait3A_87 : memref<1x640x128xf32, #tpu.memory_space<hbm>> -> memref<640x128xf32, #tpu.memory_space<hbm>>
      %dma_wait3A_89 = arith.constant 0 : i32
      %dma_wait3A_90 = tpu.memref_slice %arg10[%mul3A_2, %dma_wait3A_89] : memref<10240x128xf32, #tpu.memory_space<vmem_shared>> -> memref<640x128xf32, #tpu.memory_space<vmem_shared>>
      tpu.wait_dma2 semaphore(%run_scoped3A_82 : memref<!tpu.dma_semaphore, #tpu.memory_space<semaphore_mem>>) src(%dma_wait3A_90 : memref<640x128xf32, #tpu.memory_space<vmem_shared>>) dst(%dma_wait3A_88 : memref<640x128xf32, #tpu.memory_space<hbm>>)
      tpu.yield
    }) : () -> ()
    return
  }
}

#map = affine_map<(d0, d1) -> (0, 0)>
#map1 = affine_map<(d0, d1) -> (0)>
#map2 = affine_map<(d0, d1) -> (0, 0, 0)>
module attributes {stable_mosaic.version = 14 : i64} {
  func.func @body(%arg0: i32, %arg1: i32, %arg2: memref<10000x128xf32, #tpu.memory_space<hbm>>, %arg3: memref<320000xi32, #tpu.memory_space<hbm>>, %arg4: memref<320000xi32, #tpu.memory_space<hbm>>, %arg5: memref<10240x128xf32, #tpu.memory_space<hbm>>, %arg6: memref<2x10240x128xf32, #tpu.memory_space<hbm>>, %arg7: memref<10240x128xf32, #tpu.memory_space<vmem_shared>>, %arg8: memref<2x128xi32, #tpu.memory_space<vmem>>, %arg9: memref<2x128xi32, #tpu.memory_space<vmem>>, %arg10: memref<2x128x128xf32, #tpu.memory_space<vmem>>, %arg11: memref<!tpu.dma_semaphore, #tpu.memory_space<semaphore_mem>>, %arg12: memref<!tpu.dma_semaphore, #tpu.memory_space<semaphore_mem>>, %arg13: memref<!tpu.dma_semaphore, #tpu.memory_space<semaphore_mem>>, %arg14: memref<!tpu.dma_semaphore, #tpu.memory_space<semaphore_mem>>, %arg15: memref<!tpu.dma_semaphore, #tpu.memory_space<semaphore_mem>>) attributes {dimension_semantics = [#tpu.dimension_semantics<core_parallel>, #tpu.dimension_semantics<subcore_parallel>], iteration_bounds = array<i64: 2, 16>, scalar_prefetch = 0 : i64, scratch_operands = 9 : i64, tpu.core_type = #tpu.core_type<sc_vector_subcore>, window_params = [{transform_indices = #map}, {transform_indices = #map1}, {transform_indices = #map1}, {transform_indices = #map}, {transform_indices = #map2}]} {
    %mul3A = arith.constant 2 : i32
    %mul3A_0 = arith.muli %arg1, %mul3A : i32
    %add3A = arith.addi %mul3A_0, %arg0 : i32
    %mul3A_1 = arith.constant 640 : i32
    %mul3A_2 = arith.muli %arg1, %mul3A_1 : i32
    "tpu.region"() ({
      %run_scoped3A = tpu.sem_alloc : memref<!tpu.dma_semaphore, #tpu.memory_space<semaphore_mem>>
      %dma_start3A = arith.constant 0 : i32
      %dma_start3A_63 = tpu.memref_slice %arg7[%mul3A_2, %dma_start3A] : memref<10240x128xf32, #tpu.memory_space<vmem_shared>> -> memref<640x128xf32, #tpu.memory_space<vmem_shared>>
      %dma_start3A_64 = arith.constant 0 : i32
      %dma_start3A_65 = tpu.memref_slice %arg5[%mul3A_2, %dma_start3A_64] : memref<10240x128xf32, #tpu.memory_space<hbm>> -> memref<640x128xf32, #tpu.memory_space<hbm>>
      tpu.enqueue_dma source(%dma_start3A_65 : memref<640x128xf32, #tpu.memory_space<hbm>>) target(%dma_start3A_63 : memref<640x128xf32, #tpu.memory_space<vmem_shared>>) target_semaphore(%run_scoped3A : memref<!tpu.dma_semaphore, #tpu.memory_space<semaphore_mem>>)
      %dma_wait3A = arith.constant 0 : i32
      %dma_wait3A_66 = tpu.memref_slice %arg7[%mul3A_2, %dma_wait3A] : memref<10240x128xf32, #tpu.memory_space<vmem_shared>> -> memref<640x128xf32, #tpu.memory_space<vmem_shared>>
      %dma_wait3A_67 = arith.constant 0 : i32
      %dma_wait3A_68 = tpu.memref_slice %arg5[%mul3A_2, %dma_wait3A_67] : memref<10240x128xf32, #tpu.memory_space<hbm>> -> memref<640x128xf32, #tpu.memory_space<hbm>>
      tpu.wait_dma2 semaphore(%run_scoped3A : memref<!tpu.dma_semaphore, #tpu.memory_space<semaphore_mem>>) src(%dma_wait3A_68 : memref<640x128xf32, #tpu.memory_space<hbm>>) dst(%dma_wait3A_66 : memref<640x128xf32, #tpu.memory_space<vmem_shared>>)
      tpu.yield
    }) : () -> ()
    %barrier3A = arith.constant 0 : index
    tpu.barrier barrier_id(%barrier3A)
    %sub3A = arith.constant 2500 : i32
    %sub3A_3 = arith.subi %sub3A, %add3A : i32
    %add3A_4 = arith.constant 32 : i32
    %add3A_5 = arith.addi %sub3A_3, %add3A_4 : i32
    %sub3A_6 = arith.constant 1 : i32
    %sub3A_7 = arith.subi %add3A_5, %sub3A_6 : i32
    %jit3A = arith.constant 32 : i32
    %div3A = arith.divsi %sub3A_7, %jit3A : i32
    %sign3A = arith.constant 0 : i32
    %sign3A_8 = arith.cmpi sgt, %sub3A_7, %sign3A : i32
    %sign3A_9 = arith.extui %sign3A_8 : i1 to i32
    %sign3A_10 = arith.constant 0 : i32
    %sign3A_11 = arith.cmpi slt, %sub3A_7, %sign3A_10 : i32
    %sign3A_12 = arith.extui %sign3A_11 : i1 to i32
    %sign3A_13 = arith.subi %sign3A_9, %sign3A_12 : i32
    %sign3A_14 = arith.constant 0 : i32
    %sign3A_15 = arith.cmpi sgt, %jit3A, %sign3A_14 : i32
    %sign3A_16 = arith.extui %sign3A_15 : i1 to i32
    %sign3A_17 = arith.constant 0 : i32
    %sign3A_18 = arith.cmpi slt, %jit3A, %sign3A_17 : i32
    %sign3A_19 = arith.extui %sign3A_18 : i1 to i32
    %sign3A_20 = arith.subi %sign3A_16, %sign3A_19 : i32
    %ne3A = arith.cmpi ne, %sign3A_13, %sign3A_20 : i32
    %rem3A = arith.remsi %sub3A_7, %jit3A : i32
    %ne3A_21 = arith.constant 0 : i32
    %ne3A_22 = arith.cmpi ne, %rem3A, %ne3A_21 : i32
    %and3A = arith.andi %ne3A, %ne3A_22 : i1
    %sub3A_23 = arith.constant 1 : i32
    %sub3A_24 = arith.subi %div3A, %sub3A_23 : i32
    %select_n3A = arith.select %and3A, %sub3A_24, %div3A : i32
    %gt3A = arith.constant 0 : i32
    %gt3A_25 = arith.cmpi sgt, %select_n3A, %gt3A : i32
    %convert_element_type3A = arith.extui %gt3A_25 : i1 to i32
    %cond3A = arith.constant 0 : i32
    %cond3A_26 = arith.cmpi ne, %convert_element_type3A, %cond3A : i32
    scf.if %cond3A_26 {
      %add3A_63 = arith.constant 0 : i32
      %add3A_64 = arith.addi %add3A, %add3A_63 : i32
      %mul3A_65 = arith.constant 128 : i32
      %mul3A_66 = arith.muli %add3A_64, %mul3A_65 : i32
      %dma_start3A = arith.constant 0 : i32
      %dma_start3A_67 = arith.constant 0 : i32
      %dma_start3A_68 = tpu.memref_slice %arg8[%dma_start3A, %dma_start3A_67] : memref<2x128xi32, #tpu.memory_space<vmem>> -> memref<1x128xi32, #tpu.memory_space<vmem>>
      %dma_start3A_69 = tpu.memref_squeeze %dma_start3A_68 : memref<1x128xi32, #tpu.memory_space<vmem>> -> memref<128xi32, #tpu.memory_space<vmem>>
      %dma_start3A_70 = tpu.memref_slice %arg3[%mul3A_66] : memref<320000xi32, #tpu.memory_space<hbm>> -> memref<128xi32, #tpu.memory_space<hbm>>
      %dma_start3A_71 = arith.constant 0 : i32
      %dma_start3A_72 = tpu.memref_slice %arg8[%dma_start3A, %dma_start3A_71] : memref<2x128xi32, #tpu.memory_space<vmem>> -> memref<1x128xi32, #tpu.memory_space<vmem>>
      %dma_start3A_73 = tpu.memref_squeeze %dma_start3A_72 : memref<1x128xi32, #tpu.memory_space<vmem>> -> memref<128xi32, #tpu.memory_space<vmem>>
      %dma_start3A_74 = tpu.memref_slice %arg3[%mul3A_66] : memref<320000xi32, #tpu.memory_space<hbm>> -> memref<128xi32, #tpu.memory_space<hbm>>
      tpu.enqueue_dma source(%dma_start3A_74 : memref<128xi32, #tpu.memory_space<hbm>>) target(%dma_start3A_73 : memref<128xi32, #tpu.memory_space<vmem>>) target_semaphore(%arg15 : memref<!tpu.dma_semaphore, #tpu.memory_space<semaphore_mem>>)
      %dma_start3A_75 = arith.constant 0 : i32
      %dma_start3A_76 = arith.constant 0 : i32
      %dma_start3A_77 = tpu.memref_slice %arg9[%dma_start3A_75, %dma_start3A_76] : memref<2x128xi32, #tpu.memory_space<vmem>> -> memref<1x128xi32, #tpu.memory_space<vmem>>
      %dma_start3A_78 = tpu.memref_squeeze %dma_start3A_77 : memref<1x128xi32, #tpu.memory_space<vmem>> -> memref<128xi32, #tpu.memory_space<vmem>>
      %dma_start3A_79 = tpu.memref_slice %arg4[%mul3A_66] : memref<320000xi32, #tpu.memory_space<hbm>> -> memref<128xi32, #tpu.memory_space<hbm>>
      %dma_start3A_80 = arith.constant 0 : i32
      %dma_start3A_81 = tpu.memref_slice %arg9[%dma_start3A_75, %dma_start3A_80] : memref<2x128xi32, #tpu.memory_space<vmem>> -> memref<1x128xi32, #tpu.memory_space<vmem>>
      %dma_start3A_82 = tpu.memref_squeeze %dma_start3A_81 : memref<1x128xi32, #tpu.memory_space<vmem>> -> memref<128xi32, #tpu.memory_space<vmem>>
      %dma_start3A_83 = tpu.memref_slice %arg4[%mul3A_66] : memref<320000xi32, #tpu.memory_space<hbm>> -> memref<128xi32, #tpu.memory_space<hbm>>
      tpu.enqueue_dma source(%dma_start3A_83 : memref<128xi32, #tpu.memory_space<hbm>>) target(%dma_start3A_82 : memref<128xi32, #tpu.memory_space<vmem>>) target_semaphore(%arg15 : memref<!tpu.dma_semaphore, #tpu.memory_space<semaphore_mem>>)
      %dma_wait3A = arith.constant 0 : i32
      %dma_wait3A_84 = arith.constant 0 : i32
      %dma_wait3A_85 = tpu.memref_slice %arg8[%dma_wait3A, %dma_wait3A_84] : memref<2x128xi32, #tpu.memory_space<vmem>> -> memref<1x128xi32, #tpu.memory_space<vmem>>
      %dma_wait3A_86 = tpu.memref_squeeze %dma_wait3A_85 : memref<1x128xi32, #tpu.memory_space<vmem>> -> memref<128xi32, #tpu.memory_space<vmem>>
      %dma_wait3A_87 = arith.constant 0 : i32
      %dma_wait3A_88 = tpu.memref_slice %arg3[%dma_wait3A_87] : memref<320000xi32, #tpu.memory_space<hbm>> -> memref<128xi32, #tpu.memory_space<hbm>>
      %dma_wait3A_89 = arith.constant 0 : i32
      %dma_wait3A_90 = tpu.memref_slice %arg8[%dma_wait3A, %dma_wait3A_89] : memref<2x128xi32, #tpu.memory_space<vmem>> -> memref<1x128xi32, #tpu.memory_space<vmem>>
      %dma_wait3A_91 = tpu.memref_squeeze %dma_wait3A_90 : memref<1x128xi32, #tpu.memory_space<vmem>> -> memref<128xi32, #tpu.memory_space<vmem>>
      %dma_wait3A_92 = arith.constant 0 : i32
      %dma_wait3A_93 = tpu.memref_slice %arg3[%dma_wait3A_92] : memref<320000xi32, #tpu.memory_space<hbm>> -> memref<128xi32, #tpu.memory_space<hbm>>
      tpu.wait_dma2 semaphore(%arg15 : memref<!tpu.dma_semaphore, #tpu.memory_space<semaphore_mem>>) src(%dma_wait3A_93 : memref<128xi32, #tpu.memory_space<hbm>>) dst(%dma_wait3A_91 : memref<128xi32, #tpu.memory_space<vmem>>)
      %dma_wait3A_94 = arith.constant 0 : i32
      %dma_wait3A_95 = arith.constant 0 : i32
      %dma_wait3A_96 = tpu.memref_slice %arg9[%dma_wait3A_94, %dma_wait3A_95] : memref<2x128xi32, #tpu.memory_space<vmem>> -> memref<1x128xi32, #tpu.memory_space<vmem>>
      %dma_wait3A_97 = tpu.memref_squeeze %dma_wait3A_96 : memref<1x128xi32, #tpu.memory_space<vmem>> -> memref<128xi32, #tpu.memory_space<vmem>>
      %dma_wait3A_98 = arith.constant 0 : i32
      %dma_wait3A_99 = tpu.memref_slice %arg4[%dma_wait3A_98] : memref<320000xi32, #tpu.memory_space<hbm>> -> memref<128xi32, #tpu.memory_space<hbm>>
      %dma_wait3A_100 = arith.constant 0 : i32
      %dma_wait3A_101 = tpu.memref_slice %arg9[%dma_wait3A_94, %dma_wait3A_100] : memref<2x128xi32, #tpu.memory_space<vmem>> -> memref<1x128xi32, #tpu.memory_space<vmem>>
      %dma_wait3A_102 = tpu.memref_squeeze %dma_wait3A_101 : memref<1x128xi32, #tpu.memory_space<vmem>> -> memref<128xi32, #tpu.memory_space<vmem>>
      %dma_wait3A_103 = arith.constant 0 : i32
      %dma_wait3A_104 = tpu.memref_slice %arg4[%dma_wait3A_103] : memref<320000xi32, #tpu.memory_space<hbm>> -> memref<128xi32, #tpu.memory_space<hbm>>
      tpu.wait_dma2 semaphore(%arg15 : memref<!tpu.dma_semaphore, #tpu.memory_space<semaphore_mem>>) src(%dma_wait3A_104 : memref<128xi32, #tpu.memory_space<hbm>>) dst(%dma_wait3A_102 : memref<128xi32, #tpu.memory_space<vmem>>)
      %dma_start3A_105 = arith.constant 0 : i32
      %dma_start3A_106 = arith.constant 0 : i32
      %dma_start3A_107 = arith.constant 0 : i32
      %dma_start3A_108 = arith.constant 0 : i32
      %dma_start3A_109 = tpu.memref_slice %arg10[%dma_start3A_106, %dma_start3A_107, %dma_start3A_108] : memref<2x128x128xf32, #tpu.memory_space<vmem>> -> memref<1x128x128xf32, #tpu.memory_space<vmem>>
      %dma_start3A_110 = tpu.memref_squeeze %dma_start3A_109 : memref<1x128x128xf32, #tpu.memory_space<vmem>> -> memref<128x128xf32, #tpu.memory_space<vmem>>
      %dma_start3A_111 = arith.constant 0 : i32
      %dma_start3A_112 = tpu.memref_slice %arg8[%dma_start3A_105, %dma_start3A_111] : memref<2x128xi32, #tpu.memory_space<vmem>> -> memref<1x128xi32, #tpu.memory_space<vmem>>
      %dma_start3A_113 = tpu.memref_squeeze %dma_start3A_112 : memref<1x128xi32, #tpu.memory_space<vmem>> -> memref<128xi32, #tpu.memory_space<vmem>>
      %dma_start3A_114 = arith.constant 0 : i32
      %dma_start3A_115 = arith.constant 0 : i32
      %dma_start3A_116 = tpu.memref_slice %arg2[%dma_start3A_114, %dma_start3A_115] : memref<10000x128xf32, #tpu.memory_space<hbm>> -> memref<10000x128xf32, #tpu.memory_space<hbm>>
      tpu.enqueue_indirect_dma source(%dma_start3A_116 : memref<10000x128xf32, #tpu.memory_space<hbm>>) target(%dma_start3A_110 : memref<128x128xf32, #tpu.memory_space<vmem>>) offsets(%dma_start3A_113 : memref<128xi32, #tpu.memory_space<vmem>>) semaphore(%arg11 : memref<!tpu.dma_semaphore, #tpu.memory_space<semaphore_mem>>)
    } else {
    }
    %add3A_27 = arith.constant 1 : i32
    %add3A_28 = arith.addi %select_n3A, %add3A_27 : i32
    %jit3A_29 = arith.constant 2 : i32
    %div3A_30 = arith.divsi %add3A_28, %jit3A_29 : i32
    %sign3A_31 = arith.constant 0 : i32
    %sign3A_32 = arith.cmpi sgt, %add3A_28, %sign3A_31 : i32
    %sign3A_33 = arith.extui %sign3A_32 : i1 to i32
    %sign3A_34 = arith.constant 0 : i32
    %sign3A_35 = arith.cmpi slt, %add3A_28, %sign3A_34 : i32
    %sign3A_36 = arith.extui %sign3A_35 : i1 to i32
    %sign3A_37 = arith.subi %sign3A_33, %sign3A_36 : i32
    %sign3A_38 = arith.constant 0 : i32
    %sign3A_39 = arith.cmpi sgt, %jit3A_29, %sign3A_38 : i32
    %sign3A_40 = arith.extui %sign3A_39 : i1 to i32
    %sign3A_41 = arith.constant 0 : i32
    %sign3A_42 = arith.cmpi slt, %jit3A_29, %sign3A_41 : i32
    %sign3A_43 = arith.extui %sign3A_42 : i1 to i32
    %sign3A_44 = arith.subi %sign3A_40, %sign3A_43 : i32
    %ne3A_45 = arith.cmpi ne, %sign3A_37, %sign3A_44 : i32
    %rem3A_46 = arith.remsi %add3A_28, %jit3A_29 : i32
    %ne3A_47 = arith.constant 0 : i32
    %ne3A_48 = arith.cmpi ne, %rem3A_46, %ne3A_47 : i32
    %and3A_49 = arith.andi %ne3A_45, %ne3A_48 : i1
    %sub3A_50 = arith.constant 1 : i32
    %sub3A_51 = arith.subi %div3A_30, %sub3A_50 : i32
    %select_n3A_52 = arith.select %and3A_49, %sub3A_51, %div3A_30 : i32
    %while3A = arith.constant 0 : i32
    %while3A_53 = arith.constant 0 : i32
    %while3A_54 = arith.subi %select_n3A_52, %while3A_53 : i32
    %while3A_55 = arith.addi %while3A_53, %while3A_54 : i32
    %while3A_56 = arith.constant 1 : i32
    %while3A_57 = arith.divsi %while3A_54, %while3A_56 : i32
    %while3A_58 = arith.muli %while3A_57, %while3A_56 : i32
    %while3A_59 = arith.addi %while3A_53, %while3A_58 : i32
    %while3A_60 = arith.constant 1 : i32
    scf.for %while3A_63 = %while3A_53 to %while3A_59 step %while3A_60  : i32 {
      %mul3A_64 = arith.constant 2 : i32
      %mul3A_65 = arith.muli %mul3A_64, %while3A_63 : i32
      %add3A_66 = arith.constant 1 : i32
      %add3A_67 = arith.addi %mul3A_65, %add3A_66 : i32
      %lt3A = arith.cmpi slt, %add3A_67, %select_n3A : i32
      %convert_element_type3A_68 = arith.extui %lt3A : i1 to i32
      %cond3A_69 = arith.constant 0 : i32
      %cond3A_70 = arith.cmpi ne, %convert_element_type3A_68, %cond3A_69 : i32
      scf.if %cond3A_70 {
        %add3A_95 = arith.constant 1 : i32
        %add3A_96 = arith.addi %mul3A_65, %add3A_95 : i32
        %mul3A_97 = arith.constant 32 : i32
        %mul3A_98 = arith.muli %add3A_96, %mul3A_97 : i32
        %add3A_99 = arith.addi %add3A, %mul3A_98 : i32
        %mul3A_100 = arith.constant 128 : i32
        %mul3A_101 = arith.muli %add3A_99, %mul3A_100 : i32
        %dma_start3A = arith.constant 1 : i32
        %dma_start3A_102 = arith.constant 0 : i32
        %dma_start3A_103 = tpu.memref_slice %arg8[%dma_start3A, %dma_start3A_102] : memref<2x128xi32, #tpu.memory_space<vmem>> -> memref<1x128xi32, #tpu.memory_space<vmem>>
        %dma_start3A_104 = tpu.memref_squeeze %dma_start3A_103 : memref<1x128xi32, #tpu.memory_space<vmem>> -> memref<128xi32, #tpu.memory_space<vmem>>
        %dma_start3A_105 = tpu.memref_slice %arg3[%mul3A_101] : memref<320000xi32, #tpu.memory_space<hbm>> -> memref<128xi32, #tpu.memory_space<hbm>>
        %dma_start3A_106 = arith.constant 0 : i32
        %dma_start3A_107 = tpu.memref_slice %arg8[%dma_start3A, %dma_start3A_106] : memref<2x128xi32, #tpu.memory_space<vmem>> -> memref<1x128xi32, #tpu.memory_space<vmem>>
        %dma_start3A_108 = tpu.memref_squeeze %dma_start3A_107 : memref<1x128xi32, #tpu.memory_space<vmem>> -> memref<128xi32, #tpu.memory_space<vmem>>
        %dma_start3A_109 = tpu.memref_slice %arg3[%mul3A_101] : memref<320000xi32, #tpu.memory_space<hbm>> -> memref<128xi32, #tpu.memory_space<hbm>>
        tpu.enqueue_dma source(%dma_start3A_109 : memref<128xi32, #tpu.memory_space<hbm>>) target(%dma_start3A_108 : memref<128xi32, #tpu.memory_space<vmem>>) target_semaphore(%arg15 : memref<!tpu.dma_semaphore, #tpu.memory_space<semaphore_mem>>)
        %dma_start3A_110 = arith.constant 1 : i32
        %dma_start3A_111 = arith.constant 0 : i32
        %dma_start3A_112 = tpu.memref_slice %arg9[%dma_start3A_110, %dma_start3A_111] : memref<2x128xi32, #tpu.memory_space<vmem>> -> memref<1x128xi32, #tpu.memory_space<vmem>>
        %dma_start3A_113 = tpu.memref_squeeze %dma_start3A_112 : memref<1x128xi32, #tpu.memory_space<vmem>> -> memref<128xi32, #tpu.memory_space<vmem>>
        %dma_start3A_114 = tpu.memref_slice %arg4[%mul3A_101] : memref<320000xi32, #tpu.memory_space<hbm>> -> memref<128xi32, #tpu.memory_space<hbm>>
        %dma_start3A_115 = arith.constant 0 : i32
        %dma_start3A_116 = tpu.memref_slice %arg9[%dma_start3A_110, %dma_start3A_115] : memref<2x128xi32, #tpu.memory_space<vmem>> -> memref<1x128xi32, #tpu.memory_space<vmem>>
        %dma_start3A_117 = tpu.memref_squeeze %dma_start3A_116 : memref<1x128xi32, #tpu.memory_space<vmem>> -> memref<128xi32, #tpu.memory_space<vmem>>
        %dma_start3A_118 = tpu.memref_slice %arg4[%mul3A_101] : memref<320000xi32, #tpu.memory_space<hbm>> -> memref<128xi32, #tpu.memory_space<hbm>>
        tpu.enqueue_dma source(%dma_start3A_118 : memref<128xi32, #tpu.memory_space<hbm>>) target(%dma_start3A_117 : memref<128xi32, #tpu.memory_space<vmem>>) target_semaphore(%arg15 : memref<!tpu.dma_semaphore, #tpu.memory_space<semaphore_mem>>)
        %dma_wait3A_119 = arith.constant 1 : i32
        %dma_wait3A_120 = arith.constant 0 : i32
        %dma_wait3A_121 = tpu.memref_slice %arg8[%dma_wait3A_119, %dma_wait3A_120] : memref<2x128xi32, #tpu.memory_space<vmem>> -> memref<1x128xi32, #tpu.memory_space<vmem>>
        %dma_wait3A_122 = tpu.memref_squeeze %dma_wait3A_121 : memref<1x128xi32, #tpu.memory_space<vmem>> -> memref<128xi32, #tpu.memory_space<vmem>>
        %dma_wait3A_123 = arith.constant 0 : i32
        %dma_wait3A_124 = tpu.memref_slice %arg3[%dma_wait3A_123] : memref<320000xi32, #tpu.memory_space<hbm>> -> memref<128xi32, #tpu.memory_space<hbm>>
        %dma_wait3A_125 = arith.constant 0 : i32
        %dma_wait3A_126 = tpu.memref_slice %arg8[%dma_wait3A_119, %dma_wait3A_125] : memref<2x128xi32, #tpu.memory_space<vmem>> -> memref<1x128xi32, #tpu.memory_space<vmem>>
        %dma_wait3A_127 = tpu.memref_squeeze %dma_wait3A_126 : memref<1x128xi32, #tpu.memory_space<vmem>> -> memref<128xi32, #tpu.memory_space<vmem>>
        %dma_wait3A_128 = arith.constant 0 : i32
        %dma_wait3A_129 = tpu.memref_slice %arg3[%dma_wait3A_128] : memref<320000xi32, #tpu.memory_space<hbm>> -> memref<128xi32, #tpu.memory_space<hbm>>
        tpu.wait_dma2 semaphore(%arg15 : memref<!tpu.dma_semaphore, #tpu.memory_space<semaphore_mem>>) src(%dma_wait3A_129 : memref<128xi32, #tpu.memory_space<hbm>>) dst(%dma_wait3A_127 : memref<128xi32, #tpu.memory_space<vmem>>)
        %dma_wait3A_130 = arith.constant 1 : i32
        %dma_wait3A_131 = arith.constant 0 : i32
        %dma_wait3A_132 = tpu.memref_slice %arg9[%dma_wait3A_130, %dma_wait3A_131] : memref<2x128xi32, #tpu.memory_space<vmem>> -> memref<1x128xi32, #tpu.memory_space<vmem>>
        %dma_wait3A_133 = tpu.memref_squeeze %dma_wait3A_132 : memref<1x128xi32, #tpu.memory_space<vmem>> -> memref<128xi32, #tpu.memory_space<vmem>>
        %dma_wait3A_134 = arith.constant 0 : i32
        %dma_wait3A_135 = tpu.memref_slice %arg4[%dma_wait3A_134] : memref<320000xi32, #tpu.memory_space<hbm>> -> memref<128xi32, #tpu.memory_space<hbm>>
        %dma_wait3A_136 = arith.constant 0 : i32
        %dma_wait3A_137 = tpu.memref_slice %arg9[%dma_wait3A_130, %dma_wait3A_136] : memref<2x128xi32, #tpu.memory_space<vmem>> -> memref<1x128xi32, #tpu.memory_space<vmem>>
        %dma_wait3A_138 = tpu.memref_squeeze %dma_wait3A_137 : memref<1x128xi32, #tpu.memory_space<vmem>> -> memref<128xi32, #tpu.memory_space<vmem>>
        %dma_wait3A_139 = arith.constant 0 : i32
        %dma_wait3A_140 = tpu.memref_slice %arg4[%dma_wait3A_139] : memref<320000xi32, #tpu.memory_space<hbm>> -> memref<128xi32, #tpu.memory_space<hbm>>
        tpu.wait_dma2 semaphore(%arg15 : memref<!tpu.dma_semaphore, #tpu.memory_space<semaphore_mem>>) src(%dma_wait3A_140 : memref<128xi32, #tpu.memory_space<hbm>>) dst(%dma_wait3A_138 : memref<128xi32, #tpu.memory_space<vmem>>)
        %dma_start3A_141 = arith.constant 1 : i32
        %dma_start3A_142 = arith.constant 1 : i32
        %dma_start3A_143 = arith.constant 0 : i32
        %dma_start3A_144 = arith.constant 0 : i32
        %dma_start3A_145 = tpu.memref_slice %arg10[%dma_start3A_142, %dma_start3A_143, %dma_start3A_144] : memref<2x128x128xf32, #tpu.memory_space<vmem>> -> memref<1x128x128xf32, #tpu.memory_space<vmem>>
        %dma_start3A_146 = tpu.memref_squeeze %dma_start3A_145 : memref<1x128x128xf32, #tpu.memory_space<vmem>> -> memref<128x128xf32, #tpu.memory_space<vmem>>
        %dma_start3A_147 = arith.constant 0 : i32
        %dma_start3A_148 = tpu.memref_slice %arg8[%dma_start3A_141, %dma_start3A_147] : memref<2x128xi32, #tpu.memory_space<vmem>> -> memref<1x128xi32, #tpu.memory_space<vmem>>
        %dma_start3A_149 = tpu.memref_squeeze %dma_start3A_148 : memref<1x128xi32, #tpu.memory_space<vmem>> -> memref<128xi32, #tpu.memory_space<vmem>>
        %dma_start3A_150 = arith.constant 0 : i32
        %dma_start3A_151 = arith.constant 0 : i32
        %dma_start3A_152 = tpu.memref_slice %arg2[%dma_start3A_150, %dma_start3A_151] : memref<10000x128xf32, #tpu.memory_space<hbm>> -> memref<10000x128xf32, #tpu.memory_space<hbm>>
        tpu.enqueue_indirect_dma source(%dma_start3A_152 : memref<10000x128xf32, #tpu.memory_space<hbm>>) target(%dma_start3A_146 : memref<128x128xf32, #tpu.memory_space<vmem>>) offsets(%dma_start3A_149 : memref<128xi32, #tpu.memory_space<vmem>>) semaphore(%arg12 : memref<!tpu.dma_semaphore, #tpu.memory_space<semaphore_mem>>)
      } else {
      }
      %dma_wait3A = arith.constant 0 : i32
      %dma_wait3A_71 = arith.constant 0 : i32
      %dma_wait3A_72 = arith.constant 0 : i32
      %dma_wait3A_73 = arith.constant 0 : i32
      %dma_wait3A_74 = tpu.memref_slice %arg10[%dma_wait3A_71, %dma_wait3A_72, %dma_wait3A_73] : memref<2x128x128xf32, #tpu.memory_space<vmem>> -> memref<1x128x128xf32, #tpu.memory_space<vmem>>
      %dma_wait3A_75 = tpu.memref_squeeze %dma_wait3A_74 : memref<1x128x128xf32, #tpu.memory_space<vmem>> -> memref<128x128xf32, #tpu.memory_space<vmem>>
      %dma_wait3A_76 = arith.constant 0 : i32
      %dma_wait3A_77 = tpu.memref_slice %arg8[%dma_wait3A, %dma_wait3A_76] : memref<2x128xi32, #tpu.memory_space<vmem>> -> memref<1x128xi32, #tpu.memory_space<vmem>>
      %dma_wait3A_78 = tpu.memref_squeeze %dma_wait3A_77 : memref<1x128xi32, #tpu.memory_space<vmem>> -> memref<128xi32, #tpu.memory_space<vmem>>
      %dma_wait3A_79 = arith.constant 0 : i32
      %dma_wait3A_80 = arith.constant 0 : i32
      %dma_wait3A_81 = tpu.memref_slice %arg2[%dma_wait3A_79, %dma_wait3A_80] : memref<10000x128xf32, #tpu.memory_space<hbm>> -> memref<10000x128xf32, #tpu.memory_space<hbm>>
      tpu.wait_indirect_dma semaphore(%arg11 : memref<!tpu.dma_semaphore, #tpu.memory_space<semaphore_mem>>) src(%dma_wait3A_81 : memref<10000x128xf32, #tpu.memory_space<hbm>>) dst(%dma_wait3A_75 : memref<128x128xf32, #tpu.memory_space<vmem>>)
      %run_scoped3A = arith.constant 0 : i32
      %run_scoped3A_82 = arith.constant 0 : i32
      "tpu.region"() ({
        %run_scoped3A_95 = tpu.sem_alloc : memref<!tpu.dma_semaphore, #tpu.memory_space<semaphore_mem>>
        %dma_start3A = arith.constant 0 : i32
        %dma_start3A_96 = arith.constant 0 : i32
        %dma_start3A_97 = tpu.memref_slice %arg10[%run_scoped3A, %dma_start3A, %dma_start3A_96] : memref<2x128x128xf32, #tpu.memory_space<vmem>> -> memref<1x128x128xf32, #tpu.memory_space<vmem>>
        %dma_start3A_98 = tpu.memref_squeeze %dma_start3A_97 : memref<1x128x128xf32, #tpu.memory_space<vmem>> -> memref<128x128xf32, #tpu.memory_space<vmem>>
        %dma_start3A_99 = arith.constant 0 : i32
        %dma_start3A_100 = tpu.memref_slice %arg9[%run_scoped3A_82, %dma_start3A_99] : memref<2x128xi32, #tpu.memory_space<vmem>> -> memref<1x128xi32, #tpu.memory_space<vmem>>
        %dma_start3A_101 = tpu.memref_squeeze %dma_start3A_100 : memref<1x128xi32, #tpu.memory_space<vmem>> -> memref<128xi32, #tpu.memory_space<vmem>>
        %dma_start3A_102 = arith.constant 0 : i32
        %dma_start3A_103 = arith.constant 0 : i32
        %dma_start3A_104 = tpu.memref_slice %arg7[%dma_start3A_102, %dma_start3A_103] : memref<10240x128xf32, #tpu.memory_space<vmem_shared>> -> memref<10240x128xf32, #tpu.memory_space<vmem_shared>>
        tpu.enqueue_indirect_dma source(%dma_start3A_98 : memref<128x128xf32, #tpu.memory_space<vmem>>) target(%dma_start3A_104 : memref<10240x128xf32, #tpu.memory_space<vmem_shared>>) offsets(%dma_start3A_101 : memref<128xi32, #tpu.memory_space<vmem>>) semaphore(%run_scoped3A_95 : memref<!tpu.dma_semaphore, #tpu.memory_space<semaphore_mem>>) {add = true}
        %dma_wait3A_105 = arith.constant 0 : i32
        %dma_wait3A_106 = arith.constant 0 : i32
        %dma_wait3A_107 = tpu.memref_slice %arg10[%run_scoped3A, %dma_wait3A_105, %dma_wait3A_106] : memref<2x128x128xf32, #tpu.memory_space<vmem>> -> memref<1x128x128xf32, #tpu.memory_space<vmem>>
        %dma_wait3A_108 = tpu.memref_squeeze %dma_wait3A_107 : memref<1x128x128xf32, #tpu.memory_space<vmem>> -> memref<128x128xf32, #tpu.memory_space<vmem>>
        %dma_wait3A_109 = arith.constant 0 : i32
        %dma_wait3A_110 = tpu.memref_slice %arg9[%run_scoped3A_82, %dma_wait3A_109] : memref<2x128xi32, #tpu.memory_space<vmem>> -> memref<1x128xi32, #tpu.memory_space<vmem>>
        %dma_wait3A_111 = tpu.memref_squeeze %dma_wait3A_110 : memref<1x128xi32, #tpu.memory_space<vmem>> -> memref<128xi32, #tpu.memory_space<vmem>>
        %dma_wait3A_112 = arith.constant 0 : i32
        %dma_wait3A_113 = arith.constant 0 : i32
        %dma_wait3A_114 = tpu.memref_slice %arg7[%dma_wait3A_112, %dma_wait3A_113] : memref<10240x128xf32, #tpu.memory_space<vmem_shared>> -> memref<10240x128xf32, #tpu.memory_space<vmem_shared>>
        tpu.wait_indirect_dma semaphore(%run_scoped3A_95 : memref<!tpu.dma_semaphore, #tpu.memory_space<semaphore_mem>>) src(%dma_wait3A_108 : memref<128x128xf32, #tpu.memory_space<vmem>>) dst(%dma_wait3A_114 : memref<10240x128xf32, #tpu.memory_space<vmem_shared>>)
        tpu.yield
      }) : () -> ()
      %add3A_83 = arith.constant 2 : i32
      %add3A_84 = arith.addi %mul3A_65, %add3A_83 : i32
      %lt3A_85 = arith.cmpi slt, %add3A_84, %select_n3A : i32
      %convert_element_type3A_86 = arith.extui %lt3A_85 : i1 to i32
      %cond3A_87 = arith.constant 0 : i32
      %cond3A_88 = arith.cmpi ne, %convert_element_type3A_86, %cond3A_87 : i32
      scf.if %cond3A_88 {
        %add3A_95 = arith.constant 2 : i32
        %add3A_96 = arith.addi %mul3A_65, %add3A_95 : i32
        %mul3A_97 = arith.constant 32 : i32
        %mul3A_98 = arith.muli %add3A_96, %mul3A_97 : i32
        %add3A_99 = arith.addi %add3A, %mul3A_98 : i32
        %mul3A_100 = arith.constant 128 : i32
        %mul3A_101 = arith.muli %add3A_99, %mul3A_100 : i32
        %dma_start3A = arith.constant 0 : i32
        %dma_start3A_102 = arith.constant 0 : i32
        %dma_start3A_103 = tpu.memref_slice %arg8[%dma_start3A, %dma_start3A_102] : memref<2x128xi32, #tpu.memory_space<vmem>> -> memref<1x128xi32, #tpu.memory_space<vmem>>
        %dma_start3A_104 = tpu.memref_squeeze %dma_start3A_103 : memref<1x128xi32, #tpu.memory_space<vmem>> -> memref<128xi32, #tpu.memory_space<vmem>>
        %dma_start3A_105 = tpu.memref_slice %arg3[%mul3A_101] : memref<320000xi32, #tpu.memory_space<hbm>> -> memref<128xi32, #tpu.memory_space<hbm>>
        %dma_start3A_106 = arith.constant 0 : i32
        %dma_start3A_107 = tpu.memref_slice %arg8[%dma_start3A, %dma_start3A_106] : memref<2x128xi32, #tpu.memory_space<vmem>> -> memref<1x128xi32, #tpu.memory_space<vmem>>
        %dma_start3A_108 = tpu.memref_squeeze %dma_start3A_107 : memref<1x128xi32, #tpu.memory_space<vmem>> -> memref<128xi32, #tpu.memory_space<vmem>>
        %dma_start3A_109 = tpu.memref_slice %arg3[%mul3A_101] : memref<320000xi32, #tpu.memory_space<hbm>> -> memref<128xi32, #tpu.memory_space<hbm>>
        tpu.enqueue_dma source(%dma_start3A_109 : memref<128xi32, #tpu.memory_space<hbm>>) target(%dma_start3A_108 : memref<128xi32, #tpu.memory_space<vmem>>) target_semaphore(%arg15 : memref<!tpu.dma_semaphore, #tpu.memory_space<semaphore_mem>>)
        %dma_start3A_110 = arith.constant 0 : i32
        %dma_start3A_111 = arith.constant 0 : i32
        %dma_start3A_112 = tpu.memref_slice %arg9[%dma_start3A_110, %dma_start3A_111] : memref<2x128xi32, #tpu.memory_space<vmem>> -> memref<1x128xi32, #tpu.memory_space<vmem>>
        %dma_start3A_113 = tpu.memref_squeeze %dma_start3A_112 : memref<1x128xi32, #tpu.memory_space<vmem>> -> memref<128xi32, #tpu.memory_space<vmem>>
        %dma_start3A_114 = tpu.memref_slice %arg4[%mul3A_101] : memref<320000xi32, #tpu.memory_space<hbm>> -> memref<128xi32, #tpu.memory_space<hbm>>
        %dma_start3A_115 = arith.constant 0 : i32
        %dma_start3A_116 = tpu.memref_slice %arg9[%dma_start3A_110, %dma_start3A_115] : memref<2x128xi32, #tpu.memory_space<vmem>> -> memref<1x128xi32, #tpu.memory_space<vmem>>
        %dma_start3A_117 = tpu.memref_squeeze %dma_start3A_116 : memref<1x128xi32, #tpu.memory_space<vmem>> -> memref<128xi32, #tpu.memory_space<vmem>>
        %dma_start3A_118 = tpu.memref_slice %arg4[%mul3A_101] : memref<320000xi32, #tpu.memory_space<hbm>> -> memref<128xi32, #tpu.memory_space<hbm>>
        tpu.enqueue_dma source(%dma_start3A_118 : memref<128xi32, #tpu.memory_space<hbm>>) target(%dma_start3A_117 : memref<128xi32, #tpu.memory_space<vmem>>) target_semaphore(%arg15 : memref<!tpu.dma_semaphore, #tpu.memory_space<semaphore_mem>>)
        %dma_wait3A_119 = arith.constant 0 : i32
        %dma_wait3A_120 = arith.constant 0 : i32
        %dma_wait3A_121 = tpu.memref_slice %arg8[%dma_wait3A_119, %dma_wait3A_120] : memref<2x128xi32, #tpu.memory_space<vmem>> -> memref<1x128xi32, #tpu.memory_space<vmem>>
        %dma_wait3A_122 = tpu.memref_squeeze %dma_wait3A_121 : memref<1x128xi32, #tpu.memory_space<vmem>> -> memref<128xi32, #tpu.memory_space<vmem>>
        %dma_wait3A_123 = arith.constant 0 : i32
        %dma_wait3A_124 = tpu.memref_slice %arg3[%dma_wait3A_123] : memref<320000xi32, #tpu.memory_space<hbm>> -> memref<128xi32, #tpu.memory_space<hbm>>
        %dma_wait3A_125 = arith.constant 0 : i32
        %dma_wait3A_126 = tpu.memref_slice %arg8[%dma_wait3A_119, %dma_wait3A_125] : memref<2x128xi32, #tpu.memory_space<vmem>> -> memref<1x128xi32, #tpu.memory_space<vmem>>
        %dma_wait3A_127 = tpu.memref_squeeze %dma_wait3A_126 : memref<1x128xi32, #tpu.memory_space<vmem>> -> memref<128xi32, #tpu.memory_space<vmem>>
        %dma_wait3A_128 = arith.constant 0 : i32
        %dma_wait3A_129 = tpu.memref_slice %arg3[%dma_wait3A_128] : memref<320000xi32, #tpu.memory_space<hbm>> -> memref<128xi32, #tpu.memory_space<hbm>>
        tpu.wait_dma2 semaphore(%arg15 : memref<!tpu.dma_semaphore, #tpu.memory_space<semaphore_mem>>) src(%dma_wait3A_129 : memref<128xi32, #tpu.memory_space<hbm>>) dst(%dma_wait3A_127 : memref<128xi32, #tpu.memory_space<vmem>>)
        %dma_wait3A_130 = arith.constant 0 : i32
        %dma_wait3A_131 = arith.constant 0 : i32
        %dma_wait3A_132 = tpu.memref_slice %arg9[%dma_wait3A_130, %dma_wait3A_131] : memref<2x128xi32, #tpu.memory_space<vmem>> -> memref<1x128xi32, #tpu.memory_space<vmem>>
        %dma_wait3A_133 = tpu.memref_squeeze %dma_wait3A_132 : memref<1x128xi32, #tpu.memory_space<vmem>> -> memref<128xi32, #tpu.memory_space<vmem>>
        %dma_wait3A_134 = arith.constant 0 : i32
        %dma_wait3A_135 = tpu.memref_slice %arg4[%dma_wait3A_134] : memref<320000xi32, #tpu.memory_space<hbm>> -> memref<128xi32, #tpu.memory_space<hbm>>
        %dma_wait3A_136 = arith.constant 0 : i32
        %dma_wait3A_137 = tpu.memref_slice %arg9[%dma_wait3A_130, %dma_wait3A_136] : memref<2x128xi32, #tpu.memory_space<vmem>> -> memref<1x128xi32, #tpu.memory_space<vmem>>
        %dma_wait3A_138 = tpu.memref_squeeze %dma_wait3A_137 : memref<1x128xi32, #tpu.memory_space<vmem>> -> memref<128xi32, #tpu.memory_space<vmem>>
        %dma_wait3A_139 = arith.constant 0 : i32
        %dma_wait3A_140 = tpu.memref_slice %arg4[%dma_wait3A_139] : memref<320000xi32, #tpu.memory_space<hbm>> -> memref<128xi32, #tpu.memory_space<hbm>>
        tpu.wait_dma2 semaphore(%arg15 : memref<!tpu.dma_semaphore, #tpu.memory_space<semaphore_mem>>) src(%dma_wait3A_140 : memref<128xi32, #tpu.memory_space<hbm>>) dst(%dma_wait3A_138 : memref<128xi32, #tpu.memory_space<vmem>>)
        %dma_start3A_141 = arith.constant 0 : i32
        %dma_start3A_142 = arith.constant 0 : i32
        %dma_start3A_143 = arith.constant 0 : i32
        %dma_start3A_144 = arith.constant 0 : i32
        %dma_start3A_145 = tpu.memref_slice %arg10[%dma_start3A_142, %dma_start3A_143, %dma_start3A_144] : memref<2x128x128xf32, #tpu.memory_space<vmem>> -> memref<1x128x128xf32, #tpu.memory_space<vmem>>
        %dma_start3A_146 = tpu.memref_squeeze %dma_start3A_145 : memref<1x128x128xf32, #tpu.memory_space<vmem>> -> memref<128x128xf32, #tpu.memory_space<vmem>>
        %dma_start3A_147 = arith.constant 0 : i32
        %dma_start3A_148 = tpu.memref_slice %arg8[%dma_start3A_141, %dma_start3A_147] : memref<2x128xi32, #tpu.memory_space<vmem>> -> memref<1x128xi32, #tpu.memory_space<vmem>>
        %dma_start3A_149 = tpu.memref_squeeze %dma_start3A_148 : memref<1x128xi32, #tpu.memory_space<vmem>> -> memref<128xi32, #tpu.memory_space<vmem>>
        %dma_start3A_150 = arith.constant 0 : i32
        %dma_start3A_151 = arith.constant 0 : i32
        %dma_start3A_152 = tpu.memref_slice %arg2[%dma_start3A_150, %dma_start3A_151] : memref<10000x128xf32, #tpu.memory_space<hbm>> -> memref<10000x128xf32, #tpu.memory_space<hbm>>
        tpu.enqueue_indirect_dma source(%dma_start3A_152 : memref<10000x128xf32, #tpu.memory_space<hbm>>) target(%dma_start3A_146 : memref<128x128xf32, #tpu.memory_space<vmem>>) offsets(%dma_start3A_149 : memref<128xi32, #tpu.memory_space<vmem>>) semaphore(%arg11 : memref<!tpu.dma_semaphore, #tpu.memory_space<semaphore_mem>>)
      } else {
      }
      %add3A_89 = arith.constant 1 : i32
      %add3A_90 = arith.addi %mul3A_65, %add3A_89 : i32
      %lt3A_91 = arith.cmpi slt, %add3A_90, %select_n3A : i32
      %convert_element_type3A_92 = arith.extui %lt3A_91 : i1 to i32
      %cond3A_93 = arith.constant 0 : i32
      %cond3A_94 = arith.cmpi ne, %convert_element_type3A_92, %cond3A_93 : i32
      scf.if %cond3A_94 {
        %dma_wait3A_95 = arith.constant 1 : i32
        %dma_wait3A_96 = arith.constant 1 : i32
        %dma_wait3A_97 = arith.constant 0 : i32
        %dma_wait3A_98 = arith.constant 0 : i32
        %dma_wait3A_99 = tpu.memref_slice %arg10[%dma_wait3A_96, %dma_wait3A_97, %dma_wait3A_98] : memref<2x128x128xf32, #tpu.memory_space<vmem>> -> memref<1x128x128xf32, #tpu.memory_space<vmem>>
        %dma_wait3A_100 = tpu.memref_squeeze %dma_wait3A_99 : memref<1x128x128xf32, #tpu.memory_space<vmem>> -> memref<128x128xf32, #tpu.memory_space<vmem>>
        %dma_wait3A_101 = arith.constant 0 : i32
        %dma_wait3A_102 = tpu.memref_slice %arg8[%dma_wait3A_95, %dma_wait3A_101] : memref<2x128xi32, #tpu.memory_space<vmem>> -> memref<1x128xi32, #tpu.memory_space<vmem>>
        %dma_wait3A_103 = tpu.memref_squeeze %dma_wait3A_102 : memref<1x128xi32, #tpu.memory_space<vmem>> -> memref<128xi32, #tpu.memory_space<vmem>>
        %dma_wait3A_104 = arith.constant 0 : i32
        %dma_wait3A_105 = arith.constant 0 : i32
        %dma_wait3A_106 = tpu.memref_slice %arg2[%dma_wait3A_104, %dma_wait3A_105] : memref<10000x128xf32, #tpu.memory_space<hbm>> -> memref<10000x128xf32, #tpu.memory_space<hbm>>
        tpu.wait_indirect_dma semaphore(%arg12 : memref<!tpu.dma_semaphore, #tpu.memory_space<semaphore_mem>>) src(%dma_wait3A_106 : memref<10000x128xf32, #tpu.memory_space<hbm>>) dst(%dma_wait3A_100 : memref<128x128xf32, #tpu.memory_space<vmem>>)
        %run_scoped3A_107 = arith.constant 1 : i32
        %run_scoped3A_108 = arith.constant 1 : i32
        "tpu.region"() ({
          %run_scoped3A_109 = tpu.sem_alloc : memref<!tpu.dma_semaphore, #tpu.memory_space<semaphore_mem>>
          %dma_start3A = arith.constant 0 : i32
          %dma_start3A_110 = arith.constant 0 : i32
          %dma_start3A_111 = tpu.memref_slice %arg10[%run_scoped3A_107, %dma_start3A, %dma_start3A_110] : memref<2x128x128xf32, #tpu.memory_space<vmem>> -> memref<1x128x128xf32, #tpu.memory_space<vmem>>
          %dma_start3A_112 = tpu.memref_squeeze %dma_start3A_111 : memref<1x128x128xf32, #tpu.memory_space<vmem>> -> memref<128x128xf32, #tpu.memory_space<vmem>>
          %dma_start3A_113 = arith.constant 0 : i32
          %dma_start3A_114 = tpu.memref_slice %arg9[%run_scoped3A_108, %dma_start3A_113] : memref<2x128xi32, #tpu.memory_space<vmem>> -> memref<1x128xi32, #tpu.memory_space<vmem>>
          %dma_start3A_115 = tpu.memref_squeeze %dma_start3A_114 : memref<1x128xi32, #tpu.memory_space<vmem>> -> memref<128xi32, #tpu.memory_space<vmem>>
          %dma_start3A_116 = arith.constant 0 : i32
          %dma_start3A_117 = arith.constant 0 : i32
          %dma_start3A_118 = tpu.memref_slice %arg7[%dma_start3A_116, %dma_start3A_117] : memref<10240x128xf32, #tpu.memory_space<vmem_shared>> -> memref<10240x128xf32, #tpu.memory_space<vmem_shared>>
          tpu.enqueue_indirect_dma source(%dma_start3A_112 : memref<128x128xf32, #tpu.memory_space<vmem>>) target(%dma_start3A_118 : memref<10240x128xf32, #tpu.memory_space<vmem_shared>>) offsets(%dma_start3A_115 : memref<128xi32, #tpu.memory_space<vmem>>) semaphore(%run_scoped3A_109 : memref<!tpu.dma_semaphore, #tpu.memory_space<semaphore_mem>>) {add = true}
          %dma_wait3A_119 = arith.constant 0 : i32
          %dma_wait3A_120 = arith.constant 0 : i32
          %dma_wait3A_121 = tpu.memref_slice %arg10[%run_scoped3A_107, %dma_wait3A_119, %dma_wait3A_120] : memref<2x128x128xf32, #tpu.memory_space<vmem>> -> memref<1x128x128xf32, #tpu.memory_space<vmem>>
          %dma_wait3A_122 = tpu.memref_squeeze %dma_wait3A_121 : memref<1x128x128xf32, #tpu.memory_space<vmem>> -> memref<128x128xf32, #tpu.memory_space<vmem>>
          %dma_wait3A_123 = arith.constant 0 : i32
          %dma_wait3A_124 = tpu.memref_slice %arg9[%run_scoped3A_108, %dma_wait3A_123] : memref<2x128xi32, #tpu.memory_space<vmem>> -> memref<1x128xi32, #tpu.memory_space<vmem>>
          %dma_wait3A_125 = tpu.memref_squeeze %dma_wait3A_124 : memref<1x128xi32, #tpu.memory_space<vmem>> -> memref<128xi32, #tpu.memory_space<vmem>>
          %dma_wait3A_126 = arith.constant 0 : i32
          %dma_wait3A_127 = arith.constant 0 : i32
          %dma_wait3A_128 = tpu.memref_slice %arg7[%dma_wait3A_126, %dma_wait3A_127] : memref<10240x128xf32, #tpu.memory_space<vmem_shared>> -> memref<10240x128xf32, #tpu.memory_space<vmem_shared>>
          tpu.wait_indirect_dma semaphore(%run_scoped3A_109 : memref<!tpu.dma_semaphore, #tpu.memory_space<semaphore_mem>>) src(%dma_wait3A_122 : memref<128x128xf32, #tpu.memory_space<vmem>>) dst(%dma_wait3A_128 : memref<10240x128xf32, #tpu.memory_space<vmem_shared>>)
          tpu.yield
        }) : () -> ()
      } else {
      }
    }
    %while3A_61 = arith.constant 1 : i32
    scf.for %while3A_63 = %while3A_59 to %while3A_55 step %while3A_61  : i32 {
      %mul3A_64 = arith.constant 2 : i32
      %mul3A_65 = arith.muli %mul3A_64, %while3A_63 : i32
      %add3A_66 = arith.constant 1 : i32
      %add3A_67 = arith.addi %mul3A_65, %add3A_66 : i32
      %lt3A = arith.cmpi slt, %add3A_67, %select_n3A : i32
      %convert_element_type3A_68 = arith.extui %lt3A : i1 to i32
      %cond3A_69 = arith.constant 0 : i32
      %cond3A_70 = arith.cmpi ne, %convert_element_type3A_68, %cond3A_69 : i32
      scf.if %cond3A_70 {
        %add3A_95 = arith.constant 1 : i32
        %add3A_96 = arith.addi %mul3A_65, %add3A_95 : i32
        %mul3A_97 = arith.constant 32 : i32
        %mul3A_98 = arith.muli %add3A_96, %mul3A_97 : i32
        %add3A_99 = arith.addi %add3A, %mul3A_98 : i32
        %mul3A_100 = arith.constant 128 : i32
        %mul3A_101 = arith.muli %add3A_99, %mul3A_100 : i32
        %dma_start3A = arith.constant 1 : i32
        %dma_start3A_102 = arith.constant 0 : i32
        %dma_start3A_103 = tpu.memref_slice %arg8[%dma_start3A, %dma_start3A_102] : memref<2x128xi32, #tpu.memory_space<vmem>> -> memref<1x128xi32, #tpu.memory_space<vmem>>
        %dma_start3A_104 = tpu.memref_squeeze %dma_start3A_103 : memref<1x128xi32, #tpu.memory_space<vmem>> -> memref<128xi32, #tpu.memory_space<vmem>>
        %dma_start3A_105 = tpu.memref_slice %arg3[%mul3A_101] : memref<320000xi32, #tpu.memory_space<hbm>> -> memref<128xi32, #tpu.memory_space<hbm>>
        %dma_start3A_106 = arith.constant 0 : i32
        %dma_start3A_107 = tpu.memref_slice %arg8[%dma_start3A, %dma_start3A_106] : memref<2x128xi32, #tpu.memory_space<vmem>> -> memref<1x128xi32, #tpu.memory_space<vmem>>
        %dma_start3A_108 = tpu.memref_squeeze %dma_start3A_107 : memref<1x128xi32, #tpu.memory_space<vmem>> -> memref<128xi32, #tpu.memory_space<vmem>>
        %dma_start3A_109 = tpu.memref_slice %arg3[%mul3A_101] : memref<320000xi32, #tpu.memory_space<hbm>> -> memref<128xi32, #tpu.memory_space<hbm>>
        tpu.enqueue_dma source(%dma_start3A_109 : memref<128xi32, #tpu.memory_space<hbm>>) target(%dma_start3A_108 : memref<128xi32, #tpu.memory_space<vmem>>) target_semaphore(%arg15 : memref<!tpu.dma_semaphore, #tpu.memory_space<semaphore_mem>>)
        %dma_start3A_110 = arith.constant 1 : i32
        %dma_start3A_111 = arith.constant 0 : i32
        %dma_start3A_112 = tpu.memref_slice %arg9[%dma_start3A_110, %dma_start3A_111] : memref<2x128xi32, #tpu.memory_space<vmem>> -> memref<1x128xi32, #tpu.memory_space<vmem>>
        %dma_start3A_113 = tpu.memref_squeeze %dma_start3A_112 : memref<1x128xi32, #tpu.memory_space<vmem>> -> memref<128xi32, #tpu.memory_space<vmem>>
        %dma_start3A_114 = tpu.memref_slice %arg4[%mul3A_101] : memref<320000xi32, #tpu.memory_space<hbm>> -> memref<128xi32, #tpu.memory_space<hbm>>
        %dma_start3A_115 = arith.constant 0 : i32
        %dma_start3A_116 = tpu.memref_slice %arg9[%dma_start3A_110, %dma_start3A_115] : memref<2x128xi32, #tpu.memory_space<vmem>> -> memref<1x128xi32, #tpu.memory_space<vmem>>
        %dma_start3A_117 = tpu.memref_squeeze %dma_start3A_116 : memref<1x128xi32, #tpu.memory_space<vmem>> -> memref<128xi32, #tpu.memory_space<vmem>>
        %dma_start3A_118 = tpu.memref_slice %arg4[%mul3A_101] : memref<320000xi32, #tpu.memory_space<hbm>> -> memref<128xi32, #tpu.memory_space<hbm>>
        tpu.enqueue_dma source(%dma_start3A_118 : memref<128xi32, #tpu.memory_space<hbm>>) target(%dma_start3A_117 : memref<128xi32, #tpu.memory_space<vmem>>) target_semaphore(%arg15 : memref<!tpu.dma_semaphore, #tpu.memory_space<semaphore_mem>>)
        %dma_wait3A_119 = arith.constant 1 : i32
        %dma_wait3A_120 = arith.constant 0 : i32
        %dma_wait3A_121 = tpu.memref_slice %arg8[%dma_wait3A_119, %dma_wait3A_120] : memref<2x128xi32, #tpu.memory_space<vmem>> -> memref<1x128xi32, #tpu.memory_space<vmem>>
        %dma_wait3A_122 = tpu.memref_squeeze %dma_wait3A_121 : memref<1x128xi32, #tpu.memory_space<vmem>> -> memref<128xi32, #tpu.memory_space<vmem>>
        %dma_wait3A_123 = arith.constant 0 : i32
        %dma_wait3A_124 = tpu.memref_slice %arg3[%dma_wait3A_123] : memref<320000xi32, #tpu.memory_space<hbm>> -> memref<128xi32, #tpu.memory_space<hbm>>
        %dma_wait3A_125 = arith.constant 0 : i32
        %dma_wait3A_126 = tpu.memref_slice %arg8[%dma_wait3A_119, %dma_wait3A_125] : memref<2x128xi32, #tpu.memory_space<vmem>> -> memref<1x128xi32, #tpu.memory_space<vmem>>
        %dma_wait3A_127 = tpu.memref_squeeze %dma_wait3A_126 : memref<1x128xi32, #tpu.memory_space<vmem>> -> memref<128xi32, #tpu.memory_space<vmem>>
        %dma_wait3A_128 = arith.constant 0 : i32
        %dma_wait3A_129 = tpu.memref_slice %arg3[%dma_wait3A_128] : memref<320000xi32, #tpu.memory_space<hbm>> -> memref<128xi32, #tpu.memory_space<hbm>>
        tpu.wait_dma2 semaphore(%arg15 : memref<!tpu.dma_semaphore, #tpu.memory_space<semaphore_mem>>) src(%dma_wait3A_129 : memref<128xi32, #tpu.memory_space<hbm>>) dst(%dma_wait3A_127 : memref<128xi32, #tpu.memory_space<vmem>>)
        %dma_wait3A_130 = arith.constant 1 : i32
        %dma_wait3A_131 = arith.constant 0 : i32
        %dma_wait3A_132 = tpu.memref_slice %arg9[%dma_wait3A_130, %dma_wait3A_131] : memref<2x128xi32, #tpu.memory_space<vmem>> -> memref<1x128xi32, #tpu.memory_space<vmem>>
        %dma_wait3A_133 = tpu.memref_squeeze %dma_wait3A_132 : memref<1x128xi32, #tpu.memory_space<vmem>> -> memref<128xi32, #tpu.memory_space<vmem>>
        %dma_wait3A_134 = arith.constant 0 : i32
        %dma_wait3A_135 = tpu.memref_slice %arg4[%dma_wait3A_134] : memref<320000xi32, #tpu.memory_space<hbm>> -> memref<128xi32, #tpu.memory_space<hbm>>
        %dma_wait3A_136 = arith.constant 0 : i32
        %dma_wait3A_137 = tpu.memref_slice %arg9[%dma_wait3A_130, %dma_wait3A_136] : memref<2x128xi32, #tpu.memory_space<vmem>> -> memref<1x128xi32, #tpu.memory_space<vmem>>
        %dma_wait3A_138 = tpu.memref_squeeze %dma_wait3A_137 : memref<1x128xi32, #tpu.memory_space<vmem>> -> memref<128xi32, #tpu.memory_space<vmem>>
        %dma_wait3A_139 = arith.constant 0 : i32
        %dma_wait3A_140 = tpu.memref_slice %arg4[%dma_wait3A_139] : memref<320000xi32, #tpu.memory_space<hbm>> -> memref<128xi32, #tpu.memory_space<hbm>>
        tpu.wait_dma2 semaphore(%arg15 : memref<!tpu.dma_semaphore, #tpu.memory_space<semaphore_mem>>) src(%dma_wait3A_140 : memref<128xi32, #tpu.memory_space<hbm>>) dst(%dma_wait3A_138 : memref<128xi32, #tpu.memory_space<vmem>>)
        %dma_start3A_141 = arith.constant 1 : i32
        %dma_start3A_142 = arith.constant 1 : i32
        %dma_start3A_143 = arith.constant 0 : i32
        %dma_start3A_144 = arith.constant 0 : i32
        %dma_start3A_145 = tpu.memref_slice %arg10[%dma_start3A_142, %dma_start3A_143, %dma_start3A_144] : memref<2x128x128xf32, #tpu.memory_space<vmem>> -> memref<1x128x128xf32, #tpu.memory_space<vmem>>
        %dma_start3A_146 = tpu.memref_squeeze %dma_start3A_145 : memref<1x128x128xf32, #tpu.memory_space<vmem>> -> memref<128x128xf32, #tpu.memory_space<vmem>>
        %dma_start3A_147 = arith.constant 0 : i32
        %dma_start3A_148 = tpu.memref_slice %arg8[%dma_start3A_141, %dma_start3A_147] : memref<2x128xi32, #tpu.memory_space<vmem>> -> memref<1x128xi32, #tpu.memory_space<vmem>>
        %dma_start3A_149 = tpu.memref_squeeze %dma_start3A_148 : memref<1x128xi32, #tpu.memory_space<vmem>> -> memref<128xi32, #tpu.memory_space<vmem>>
        %dma_start3A_150 = arith.constant 0 : i32
        %dma_start3A_151 = arith.constant 0 : i32
        %dma_start3A_152 = tpu.memref_slice %arg2[%dma_start3A_150, %dma_start3A_151] : memref<10000x128xf32, #tpu.memory_space<hbm>> -> memref<10000x128xf32, #tpu.memory_space<hbm>>
        tpu.enqueue_indirect_dma source(%dma_start3A_152 : memref<10000x128xf32, #tpu.memory_space<hbm>>) target(%dma_start3A_146 : memref<128x128xf32, #tpu.memory_space<vmem>>) offsets(%dma_start3A_149 : memref<128xi32, #tpu.memory_space<vmem>>) semaphore(%arg12 : memref<!tpu.dma_semaphore, #tpu.memory_space<semaphore_mem>>)
      } else {
      }
      %dma_wait3A = arith.constant 0 : i32
      %dma_wait3A_71 = arith.constant 0 : i32
      %dma_wait3A_72 = arith.constant 0 : i32
      %dma_wait3A_73 = arith.constant 0 : i32
      %dma_wait3A_74 = tpu.memref_slice %arg10[%dma_wait3A_71, %dma_wait3A_72, %dma_wait3A_73] : memref<2x128x128xf32, #tpu.memory_space<vmem>> -> memref<1x128x128xf32, #tpu.memory_space<vmem>>
      %dma_wait3A_75 = tpu.memref_squeeze %dma_wait3A_74 : memref<1x128x128xf32, #tpu.memory_space<vmem>> -> memref<128x128xf32, #tpu.memory_space<vmem>>
      %dma_wait3A_76 = arith.constant 0 : i32
      %dma_wait3A_77 = tpu.memref_slice %arg8[%dma_wait3A, %dma_wait3A_76] : memref<2x128xi32, #tpu.memory_space<vmem>> -> memref<1x128xi32, #tpu.memory_space<vmem>>
      %dma_wait3A_78 = tpu.memref_squeeze %dma_wait3A_77 : memref<1x128xi32, #tpu.memory_space<vmem>> -> memref<128xi32, #tpu.memory_space<vmem>>
      %dma_wait3A_79 = arith.constant 0 : i32
      %dma_wait3A_80 = arith.constant 0 : i32
      %dma_wait3A_81 = tpu.memref_slice %arg2[%dma_wait3A_79, %dma_wait3A_80] : memref<10000x128xf32, #tpu.memory_space<hbm>> -> memref<10000x128xf32, #tpu.memory_space<hbm>>
      tpu.wait_indirect_dma semaphore(%arg11 : memref<!tpu.dma_semaphore, #tpu.memory_space<semaphore_mem>>) src(%dma_wait3A_81 : memref<10000x128xf32, #tpu.memory_space<hbm>>) dst(%dma_wait3A_75 : memref<128x128xf32, #tpu.memory_space<vmem>>)
      %run_scoped3A = arith.constant 0 : i32
      %run_scoped3A_82 = arith.constant 0 : i32
      "tpu.region"() ({
        %run_scoped3A_95 = tpu.sem_alloc : memref<!tpu.dma_semaphore, #tpu.memory_space<semaphore_mem>>
        %dma_start3A = arith.constant 0 : i32
        %dma_start3A_96 = arith.constant 0 : i32
        %dma_start3A_97 = tpu.memref_slice %arg10[%run_scoped3A, %dma_start3A, %dma_start3A_96] : memref<2x128x128xf32, #tpu.memory_space<vmem>> -> memref<1x128x128xf32, #tpu.memory_space<vmem>>
        %dma_start3A_98 = tpu.memref_squeeze %dma_start3A_97 : memref<1x128x128xf32, #tpu.memory_space<vmem>> -> memref<128x128xf32, #tpu.memory_space<vmem>>
        %dma_start3A_99 = arith.constant 0 : i32
        %dma_start3A_100 = tpu.memref_slice %arg9[%run_scoped3A_82, %dma_start3A_99] : memref<2x128xi32, #tpu.memory_space<vmem>> -> memref<1x128xi32, #tpu.memory_space<vmem>>
        %dma_start3A_101 = tpu.memref_squeeze %dma_start3A_100 : memref<1x128xi32, #tpu.memory_space<vmem>> -> memref<128xi32, #tpu.memory_space<vmem>>
        %dma_start3A_102 = arith.constant 0 : i32
        %dma_start3A_103 = arith.constant 0 : i32
        %dma_start3A_104 = tpu.memref_slice %arg7[%dma_start3A_102, %dma_start3A_103] : memref<10240x128xf32, #tpu.memory_space<vmem_shared>> -> memref<10240x128xf32, #tpu.memory_space<vmem_shared>>
        tpu.enqueue_indirect_dma source(%dma_start3A_98 : memref<128x128xf32, #tpu.memory_space<vmem>>) target(%dma_start3A_104 : memref<10240x128xf32, #tpu.memory_space<vmem_shared>>) offsets(%dma_start3A_101 : memref<128xi32, #tpu.memory_space<vmem>>) semaphore(%run_scoped3A_95 : memref<!tpu.dma_semaphore, #tpu.memory_space<semaphore_mem>>) {add = true}
        %dma_wait3A_105 = arith.constant 0 : i32
        %dma_wait3A_106 = arith.constant 0 : i32
        %dma_wait3A_107 = tpu.memref_slice %arg10[%run_scoped3A, %dma_wait3A_105, %dma_wait3A_106] : memref<2x128x128xf32, #tpu.memory_space<vmem>> -> memref<1x128x128xf32, #tpu.memory_space<vmem>>
        %dma_wait3A_108 = tpu.memref_squeeze %dma_wait3A_107 : memref<1x128x128xf32, #tpu.memory_space<vmem>> -> memref<128x128xf32, #tpu.memory_space<vmem>>
        %dma_wait3A_109 = arith.constant 0 : i32
        %dma_wait3A_110 = tpu.memref_slice %arg9[%run_scoped3A_82, %dma_wait3A_109] : memref<2x128xi32, #tpu.memory_space<vmem>> -> memref<1x128xi32, #tpu.memory_space<vmem>>
        %dma_wait3A_111 = tpu.memref_squeeze %dma_wait3A_110 : memref<1x128xi32, #tpu.memory_space<vmem>> -> memref<128xi32, #tpu.memory_space<vmem>>
        %dma_wait3A_112 = arith.constant 0 : i32
        %dma_wait3A_113 = arith.constant 0 : i32
        %dma_wait3A_114 = tpu.memref_slice %arg7[%dma_wait3A_112, %dma_wait3A_113] : memref<10240x128xf32, #tpu.memory_space<vmem_shared>> -> memref<10240x128xf32, #tpu.memory_space<vmem_shared>>
        tpu.wait_indirect_dma semaphore(%run_scoped3A_95 : memref<!tpu.dma_semaphore, #tpu.memory_space<semaphore_mem>>) src(%dma_wait3A_108 : memref<128x128xf32, #tpu.memory_space<vmem>>) dst(%dma_wait3A_114 : memref<10240x128xf32, #tpu.memory_space<vmem_shared>>)
        tpu.yield
      }) : () -> ()
      %add3A_83 = arith.constant 2 : i32
      %add3A_84 = arith.addi %mul3A_65, %add3A_83 : i32
      %lt3A_85 = arith.cmpi slt, %add3A_84, %select_n3A : i32
      %convert_element_type3A_86 = arith.extui %lt3A_85 : i1 to i32
      %cond3A_87 = arith.constant 0 : i32
      %cond3A_88 = arith.cmpi ne, %convert_element_type3A_86, %cond3A_87 : i32
      scf.if %cond3A_88 {
        %add3A_95 = arith.constant 2 : i32
        %add3A_96 = arith.addi %mul3A_65, %add3A_95 : i32
        %mul3A_97 = arith.constant 32 : i32
        %mul3A_98 = arith.muli %add3A_96, %mul3A_97 : i32
        %add3A_99 = arith.addi %add3A, %mul3A_98 : i32
        %mul3A_100 = arith.constant 128 : i32
        %mul3A_101 = arith.muli %add3A_99, %mul3A_100 : i32
        %dma_start3A = arith.constant 0 : i32
        %dma_start3A_102 = arith.constant 0 : i32
        %dma_start3A_103 = tpu.memref_slice %arg8[%dma_start3A, %dma_start3A_102] : memref<2x128xi32, #tpu.memory_space<vmem>> -> memref<1x128xi32, #tpu.memory_space<vmem>>
        %dma_start3A_104 = tpu.memref_squeeze %dma_start3A_103 : memref<1x128xi32, #tpu.memory_space<vmem>> -> memref<128xi32, #tpu.memory_space<vmem>>
        %dma_start3A_105 = tpu.memref_slice %arg3[%mul3A_101] : memref<320000xi32, #tpu.memory_space<hbm>> -> memref<128xi32, #tpu.memory_space<hbm>>
        %dma_start3A_106 = arith.constant 0 : i32
        %dma_start3A_107 = tpu.memref_slice %arg8[%dma_start3A, %dma_start3A_106] : memref<2x128xi32, #tpu.memory_space<vmem>> -> memref<1x128xi32, #tpu.memory_space<vmem>>
        %dma_start3A_108 = tpu.memref_squeeze %dma_start3A_107 : memref<1x128xi32, #tpu.memory_space<vmem>> -> memref<128xi32, #tpu.memory_space<vmem>>
        %dma_start3A_109 = tpu.memref_slice %arg3[%mul3A_101] : memref<320000xi32, #tpu.memory_space<hbm>> -> memref<128xi32, #tpu.memory_space<hbm>>
        tpu.enqueue_dma source(%dma_start3A_109 : memref<128xi32, #tpu.memory_space<hbm>>) target(%dma_start3A_108 : memref<128xi32, #tpu.memory_space<vmem>>) target_semaphore(%arg15 : memref<!tpu.dma_semaphore, #tpu.memory_space<semaphore_mem>>)
        %dma_start3A_110 = arith.constant 0 : i32
        %dma_start3A_111 = arith.constant 0 : i32
        %dma_start3A_112 = tpu.memref_slice %arg9[%dma_start3A_110, %dma_start3A_111] : memref<2x128xi32, #tpu.memory_space<vmem>> -> memref<1x128xi32, #tpu.memory_space<vmem>>
        %dma_start3A_113 = tpu.memref_squeeze %dma_start3A_112 : memref<1x128xi32, #tpu.memory_space<vmem>> -> memref<128xi32, #tpu.memory_space<vmem>>
        %dma_start3A_114 = tpu.memref_slice %arg4[%mul3A_101] : memref<320000xi32, #tpu.memory_space<hbm>> -> memref<128xi32, #tpu.memory_space<hbm>>
        %dma_start3A_115 = arith.constant 0 : i32
        %dma_start3A_116 = tpu.memref_slice %arg9[%dma_start3A_110, %dma_start3A_115] : memref<2x128xi32, #tpu.memory_space<vmem>> -> memref<1x128xi32, #tpu.memory_space<vmem>>
        %dma_start3A_117 = tpu.memref_squeeze %dma_start3A_116 : memref<1x128xi32, #tpu.memory_space<vmem>> -> memref<128xi32, #tpu.memory_space<vmem>>
        %dma_start3A_118 = tpu.memref_slice %arg4[%mul3A_101] : memref<320000xi32, #tpu.memory_space<hbm>> -> memref<128xi32, #tpu.memory_space<hbm>>
        tpu.enqueue_dma source(%dma_start3A_118 : memref<128xi32, #tpu.memory_space<hbm>>) target(%dma_start3A_117 : memref<128xi32, #tpu.memory_space<vmem>>) target_semaphore(%arg15 : memref<!tpu.dma_semaphore, #tpu.memory_space<semaphore_mem>>)
        %dma_wait3A_119 = arith.constant 0 : i32
        %dma_wait3A_120 = arith.constant 0 : i32
        %dma_wait3A_121 = tpu.memref_slice %arg8[%dma_wait3A_119, %dma_wait3A_120] : memref<2x128xi32, #tpu.memory_space<vmem>> -> memref<1x128xi32, #tpu.memory_space<vmem>>
        %dma_wait3A_122 = tpu.memref_squeeze %dma_wait3A_121 : memref<1x128xi32, #tpu.memory_space<vmem>> -> memref<128xi32, #tpu.memory_space<vmem>>
        %dma_wait3A_123 = arith.constant 0 : i32
        %dma_wait3A_124 = tpu.memref_slice %arg3[%dma_wait3A_123] : memref<320000xi32, #tpu.memory_space<hbm>> -> memref<128xi32, #tpu.memory_space<hbm>>
        %dma_wait3A_125 = arith.constant 0 : i32
        %dma_wait3A_126 = tpu.memref_slice %arg8[%dma_wait3A_119, %dma_wait3A_125] : memref<2x128xi32, #tpu.memory_space<vmem>> -> memref<1x128xi32, #tpu.memory_space<vmem>>
        %dma_wait3A_127 = tpu.memref_squeeze %dma_wait3A_126 : memref<1x128xi32, #tpu.memory_space<vmem>> -> memref<128xi32, #tpu.memory_space<vmem>>
        %dma_wait3A_128 = arith.constant 0 : i32
        %dma_wait3A_129 = tpu.memref_slice %arg3[%dma_wait3A_128] : memref<320000xi32, #tpu.memory_space<hbm>> -> memref<128xi32, #tpu.memory_space<hbm>>
        tpu.wait_dma2 semaphore(%arg15 : memref<!tpu.dma_semaphore, #tpu.memory_space<semaphore_mem>>) src(%dma_wait3A_129 : memref<128xi32, #tpu.memory_space<hbm>>) dst(%dma_wait3A_127 : memref<128xi32, #tpu.memory_space<vmem>>)
        %dma_wait3A_130 = arith.constant 0 : i32
        %dma_wait3A_131 = arith.constant 0 : i32
        %dma_wait3A_132 = tpu.memref_slice %arg9[%dma_wait3A_130, %dma_wait3A_131] : memref<2x128xi32, #tpu.memory_space<vmem>> -> memref<1x128xi32, #tpu.memory_space<vmem>>
        %dma_wait3A_133 = tpu.memref_squeeze %dma_wait3A_132 : memref<1x128xi32, #tpu.memory_space<vmem>> -> memref<128xi32, #tpu.memory_space<vmem>>
        %dma_wait3A_134 = arith.constant 0 : i32
        %dma_wait3A_135 = tpu.memref_slice %arg4[%dma_wait3A_134] : memref<320000xi32, #tpu.memory_space<hbm>> -> memref<128xi32, #tpu.memory_space<hbm>>
        %dma_wait3A_136 = arith.constant 0 : i32
        %dma_wait3A_137 = tpu.memref_slice %arg9[%dma_wait3A_130, %dma_wait3A_136] : memref<2x128xi32, #tpu.memory_space<vmem>> -> memref<1x128xi32, #tpu.memory_space<vmem>>
        %dma_wait3A_138 = tpu.memref_squeeze %dma_wait3A_137 : memref<1x128xi32, #tpu.memory_space<vmem>> -> memref<128xi32, #tpu.memory_space<vmem>>
        %dma_wait3A_139 = arith.constant 0 : i32
        %dma_wait3A_140 = tpu.memref_slice %arg4[%dma_wait3A_139] : memref<320000xi32, #tpu.memory_space<hbm>> -> memref<128xi32, #tpu.memory_space<hbm>>
        tpu.wait_dma2 semaphore(%arg15 : memref<!tpu.dma_semaphore, #tpu.memory_space<semaphore_mem>>) src(%dma_wait3A_140 : memref<128xi32, #tpu.memory_space<hbm>>) dst(%dma_wait3A_138 : memref<128xi32, #tpu.memory_space<vmem>>)
        %dma_start3A_141 = arith.constant 0 : i32
        %dma_start3A_142 = arith.constant 0 : i32
        %dma_start3A_143 = arith.constant 0 : i32
        %dma_start3A_144 = arith.constant 0 : i32
        %dma_start3A_145 = tpu.memref_slice %arg10[%dma_start3A_142, %dma_start3A_143, %dma_start3A_144] : memref<2x128x128xf32, #tpu.memory_space<vmem>> -> memref<1x128x128xf32, #tpu.memory_space<vmem>>
        %dma_start3A_146 = tpu.memref_squeeze %dma_start3A_145 : memref<1x128x128xf32, #tpu.memory_space<vmem>> -> memref<128x128xf32, #tpu.memory_space<vmem>>
        %dma_start3A_147 = arith.constant 0 : i32
        %dma_start3A_148 = tpu.memref_slice %arg8[%dma_start3A_141, %dma_start3A_147] : memref<2x128xi32, #tpu.memory_space<vmem>> -> memref<1x128xi32, #tpu.memory_space<vmem>>
        %dma_start3A_149 = tpu.memref_squeeze %dma_start3A_148 : memref<1x128xi32, #tpu.memory_space<vmem>> -> memref<128xi32, #tpu.memory_space<vmem>>
        %dma_start3A_150 = arith.constant 0 : i32
        %dma_start3A_151 = arith.constant 0 : i32
        %dma_start3A_152 = tpu.memref_slice %arg2[%dma_start3A_150, %dma_start3A_151] : memref<10000x128xf32, #tpu.memory_space<hbm>> -> memref<10000x128xf32, #tpu.memory_space<hbm>>
        tpu.enqueue_indirect_dma source(%dma_start3A_152 : memref<10000x128xf32, #tpu.memory_space<hbm>>) target(%dma_start3A_146 : memref<128x128xf32, #tpu.memory_space<vmem>>) offsets(%dma_start3A_149 : memref<128xi32, #tpu.memory_space<vmem>>) semaphore(%arg11 : memref<!tpu.dma_semaphore, #tpu.memory_space<semaphore_mem>>)
      } else {
      }
      %add3A_89 = arith.constant 1 : i32
      %add3A_90 = arith.addi %mul3A_65, %add3A_89 : i32
      %lt3A_91 = arith.cmpi slt, %add3A_90, %select_n3A : i32
      %convert_element_type3A_92 = arith.extui %lt3A_91 : i1 to i32
      %cond3A_93 = arith.constant 0 : i32
      %cond3A_94 = arith.cmpi ne, %convert_element_type3A_92, %cond3A_93 : i32
      scf.if %cond3A_94 {
        %dma_wait3A_95 = arith.constant 1 : i32
        %dma_wait3A_96 = arith.constant 1 : i32
        %dma_wait3A_97 = arith.constant 0 : i32
        %dma_wait3A_98 = arith.constant 0 : i32
        %dma_wait3A_99 = tpu.memref_slice %arg10[%dma_wait3A_96, %dma_wait3A_97, %dma_wait3A_98] : memref<2x128x128xf32, #tpu.memory_space<vmem>> -> memref<1x128x128xf32, #tpu.memory_space<vmem>>
        %dma_wait3A_100 = tpu.memref_squeeze %dma_wait3A_99 : memref<1x128x128xf32, #tpu.memory_space<vmem>> -> memref<128x128xf32, #tpu.memory_space<vmem>>
        %dma_wait3A_101 = arith.constant 0 : i32
        %dma_wait3A_102 = tpu.memref_slice %arg8[%dma_wait3A_95, %dma_wait3A_101] : memref<2x128xi32, #tpu.memory_space<vmem>> -> memref<1x128xi32, #tpu.memory_space<vmem>>
        %dma_wait3A_103 = tpu.memref_squeeze %dma_wait3A_102 : memref<1x128xi32, #tpu.memory_space<vmem>> -> memref<128xi32, #tpu.memory_space<vmem>>
        %dma_wait3A_104 = arith.constant 0 : i32
        %dma_wait3A_105 = arith.constant 0 : i32
        %dma_wait3A_106 = tpu.memref_slice %arg2[%dma_wait3A_104, %dma_wait3A_105] : memref<10000x128xf32, #tpu.memory_space<hbm>> -> memref<10000x128xf32, #tpu.memory_space<hbm>>
        tpu.wait_indirect_dma semaphore(%arg12 : memref<!tpu.dma_semaphore, #tpu.memory_space<semaphore_mem>>) src(%dma_wait3A_106 : memref<10000x128xf32, #tpu.memory_space<hbm>>) dst(%dma_wait3A_100 : memref<128x128xf32, #tpu.memory_space<vmem>>)
        %run_scoped3A_107 = arith.constant 1 : i32
        %run_scoped3A_108 = arith.constant 1 : i32
        "tpu.region"() ({
          %run_scoped3A_109 = tpu.sem_alloc : memref<!tpu.dma_semaphore, #tpu.memory_space<semaphore_mem>>
          %dma_start3A = arith.constant 0 : i32
          %dma_start3A_110 = arith.constant 0 : i32
          %dma_start3A_111 = tpu.memref_slice %arg10[%run_scoped3A_107, %dma_start3A, %dma_start3A_110] : memref<2x128x128xf32, #tpu.memory_space<vmem>> -> memref<1x128x128xf32, #tpu.memory_space<vmem>>
          %dma_start3A_112 = tpu.memref_squeeze %dma_start3A_111 : memref<1x128x128xf32, #tpu.memory_space<vmem>> -> memref<128x128xf32, #tpu.memory_space<vmem>>
          %dma_start3A_113 = arith.constant 0 : i32
          %dma_start3A_114 = tpu.memref_slice %arg9[%run_scoped3A_108, %dma_start3A_113] : memref<2x128xi32, #tpu.memory_space<vmem>> -> memref<1x128xi32, #tpu.memory_space<vmem>>
          %dma_start3A_115 = tpu.memref_squeeze %dma_start3A_114 : memref<1x128xi32, #tpu.memory_space<vmem>> -> memref<128xi32, #tpu.memory_space<vmem>>
          %dma_start3A_116 = arith.constant 0 : i32
          %dma_start3A_117 = arith.constant 0 : i32
          %dma_start3A_118 = tpu.memref_slice %arg7[%dma_start3A_116, %dma_start3A_117] : memref<10240x128xf32, #tpu.memory_space<vmem_shared>> -> memref<10240x128xf32, #tpu.memory_space<vmem_shared>>
          tpu.enqueue_indirect_dma source(%dma_start3A_112 : memref<128x128xf32, #tpu.memory_space<vmem>>) target(%dma_start3A_118 : memref<10240x128xf32, #tpu.memory_space<vmem_shared>>) offsets(%dma_start3A_115 : memref<128xi32, #tpu.memory_space<vmem>>) semaphore(%run_scoped3A_109 : memref<!tpu.dma_semaphore, #tpu.memory_space<semaphore_mem>>) {add = true}
          %dma_wait3A_119 = arith.constant 0 : i32
          %dma_wait3A_120 = arith.constant 0 : i32
          %dma_wait3A_121 = tpu.memref_slice %arg10[%run_scoped3A_107, %dma_wait3A_119, %dma_wait3A_120] : memref<2x128x128xf32, #tpu.memory_space<vmem>> -> memref<1x128x128xf32, #tpu.memory_space<vmem>>
          %dma_wait3A_122 = tpu.memref_squeeze %dma_wait3A_121 : memref<1x128x128xf32, #tpu.memory_space<vmem>> -> memref<128x128xf32, #tpu.memory_space<vmem>>
          %dma_wait3A_123 = arith.constant 0 : i32
          %dma_wait3A_124 = tpu.memref_slice %arg9[%run_scoped3A_108, %dma_wait3A_123] : memref<2x128xi32, #tpu.memory_space<vmem>> -> memref<1x128xi32, #tpu.memory_space<vmem>>
          %dma_wait3A_125 = tpu.memref_squeeze %dma_wait3A_124 : memref<1x128xi32, #tpu.memory_space<vmem>> -> memref<128xi32, #tpu.memory_space<vmem>>
          %dma_wait3A_126 = arith.constant 0 : i32
          %dma_wait3A_127 = arith.constant 0 : i32
          %dma_wait3A_128 = tpu.memref_slice %arg7[%dma_wait3A_126, %dma_wait3A_127] : memref<10240x128xf32, #tpu.memory_space<vmem_shared>> -> memref<10240x128xf32, #tpu.memory_space<vmem_shared>>
          tpu.wait_indirect_dma semaphore(%run_scoped3A_109 : memref<!tpu.dma_semaphore, #tpu.memory_space<semaphore_mem>>) src(%dma_wait3A_122 : memref<128x128xf32, #tpu.memory_space<vmem>>) dst(%dma_wait3A_128 : memref<10240x128xf32, #tpu.memory_space<vmem_shared>>)
          tpu.yield
        }) : () -> ()
      } else {
      }
    }
    %barrier3A_62 = arith.constant 0 : index
    tpu.barrier barrier_id(%barrier3A_62)
    "tpu.region"() ({
      %run_scoped3A = tpu.sem_alloc : memref<!tpu.dma_semaphore, #tpu.memory_space<semaphore_mem>>
      %dma_start3A = arith.constant 0 : i32
      %dma_start3A_63 = tpu.memref_slice %arg6[%arg0, %mul3A_2, %dma_start3A] : memref<2x10240x128xf32, #tpu.memory_space<hbm>> -> memref<1x640x128xf32, #tpu.memory_space<hbm>>
      %dma_start3A_64 = tpu.memref_squeeze %dma_start3A_63 : memref<1x640x128xf32, #tpu.memory_space<hbm>> -> memref<640x128xf32, #tpu.memory_space<hbm>>
      %dma_start3A_65 = arith.constant 0 : i32
      %dma_start3A_66 = tpu.memref_slice %arg7[%mul3A_2, %dma_start3A_65] : memref<10240x128xf32, #tpu.memory_space<vmem_shared>> -> memref<640x128xf32, #tpu.memory_space<vmem_shared>>
      tpu.enqueue_dma source(%dma_start3A_66 : memref<640x128xf32, #tpu.memory_space<vmem_shared>>) target(%dma_start3A_64 : memref<640x128xf32, #tpu.memory_space<hbm>>) target_semaphore(%run_scoped3A : memref<!tpu.dma_semaphore, #tpu.memory_space<semaphore_mem>>)
      %dma_wait3A = arith.constant 0 : i32
      %dma_wait3A_67 = tpu.memref_slice %arg6[%arg0, %mul3A_2, %dma_wait3A] : memref<2x10240x128xf32, #tpu.memory_space<hbm>> -> memref<1x640x128xf32, #tpu.memory_space<hbm>>
      %dma_wait3A_68 = tpu.memref_squeeze %dma_wait3A_67 : memref<1x640x128xf32, #tpu.memory_space<hbm>> -> memref<640x128xf32, #tpu.memory_space<hbm>>
      %dma_wait3A_69 = arith.constant 0 : i32
      %dma_wait3A_70 = tpu.memref_slice %arg7[%mul3A_2, %dma_wait3A_69] : memref<10240x128xf32, #tpu.memory_space<vmem_shared>> -> memref<640x128xf32, #tpu.memory_space<vmem_shared>>
      tpu.wait_dma2 semaphore(%run_scoped3A : memref<!tpu.dma_semaphore, #tpu.memory_space<semaphore_mem>>) src(%dma_wait3A_70 : memref<640x128xf32, #tpu.memory_space<vmem_shared>>) dst(%dma_wait3A_68 : memref<640x128xf32, #tpu.memory_space<hbm>>)
      tpu.yield
    }) : () -> ()
    return
  }
}

module attributes {stable_mosaic.version = 14 : i64} {
  func.func @_tc_mid_body(%arg0: memref<2x10240x128xf32, #tpu.memory_space<vmem>>, %arg1: memref<2x10240x128xf32, #tpu.memory_space<vmem>>, %arg2: memref<10000x128xf32, #tpu.memory_space<vmem>>, %arg3: memref<128x128xf32, #tpu.memory_space<vmem>>, %arg4: memref<1x128xf32, #tpu.memory_space<vmem>>, %arg5: memref<10000x128xf32, #tpu.memory_space<vmem>>) attributes {dimension_semantics = [], scalar_prefetch = 0 : i64, scratch_operands = 0 : i64, tpu.core_type = #tpu.core_type<tc>} {
    %get3A = arith.constant 0 : index
    %get3A_0 = arith.constant 0 : index
    %get3A_1 = arith.constant 0 : index
    %get3A_2 = vector.load %arg0[%get3A, %get3A_0, %get3A_1] : memref<2x10240x128xf32, #tpu.memory_space<vmem>>, vector<1x10000x128xf32>
    %get3A_3 = vector.shape_cast %get3A_2 : vector<1x10000x128xf32> to vector<10000x128xf32>
    %get3A_4 = arith.constant 1 : index
    %get3A_5 = arith.constant 0 : index
    %get3A_6 = arith.constant 0 : index
    %get3A_7 = vector.load %arg0[%get3A_4, %get3A_5, %get3A_6] : memref<2x10240x128xf32, #tpu.memory_space<vmem>>, vector<1x10000x128xf32>
    %get3A_8 = vector.shape_cast %get3A_7 : vector<1x10000x128xf32> to vector<10000x128xf32>
    %add3A = arith.addf %get3A_3, %get3A_8 : vector<10000x128xf32>
    %get3A_9 = arith.constant 0 : index
    %get3A_10 = arith.constant 0 : index
    %get3A_11 = arith.constant 0 : index
    %get3A_12 = vector.load %arg1[%get3A_9, %get3A_10, %get3A_11] : memref<2x10240x128xf32, #tpu.memory_space<vmem>>, vector<1x10000x128xf32>
    %get3A_13 = vector.shape_cast %get3A_12 : vector<1x10000x128xf32> to vector<10000x128xf32>
    %get3A_14 = arith.constant 1 : index
    %get3A_15 = arith.constant 0 : index
    %get3A_16 = arith.constant 0 : index
    %get3A_17 = vector.load %arg1[%get3A_14, %get3A_15, %get3A_16] : memref<2x10240x128xf32, #tpu.memory_space<vmem>>, vector<1x10000x128xf32>
    %get3A_18 = vector.shape_cast %get3A_17 : vector<1x10000x128xf32> to vector<10000x128xf32>
    %add3A_19 = arith.addf %get3A_13, %get3A_18 : vector<10000x128xf32>
    %get3A_20 = arith.constant 0 : index
    %get3A_21 = arith.constant 0 : index
    %get3A_22 = vector.load %arg2[%get3A_20, %get3A_21] : memref<10000x128xf32, #tpu.memory_space<vmem>>, vector<10000x128xf32>
    %gt3A = arith.constant 0.000000e+00 : f32
    %gt3A_23 = vector.broadcast %gt3A : f32 to vector<10000x128xf32>
    %gt3A_24 = arith.cmpf ogt, %add3A_19, %gt3A_23 : vector<10000x128xf32>
    %max3A = arith.constant 1.000000e+00 : f32
    %max3A_25 = vector.broadcast %max3A : f32 to vector<10000x128xf32>
    %max3A_26 = arith.maximumf %add3A_19, %max3A_25 : vector<10000x128xf32>
    %div3A = arith.divf %add3A, %max3A_26 : vector<10000x128xf32>
    %select_n3A = arith.select %gt3A_24, %div3A, %get3A_22 : vector<10000x128xi1>, vector<10000x128xf32>
    %get3A_27 = arith.constant 0 : index
    %get3A_28 = arith.constant 0 : index
    %get3A_29 = vector.load %arg3[%get3A_27, %get3A_28] : memref<128x128xf32, #tpu.memory_space<vmem>>, vector<128x128xf32>
    %dot_general3A = arith.constant dense<0.000000e+00> : vector<10000x128xf32>
    %dot_general3A_30 = tpu.matmul %select_n3A, %get3A_29, %dot_general3A {dimension_numbers = #tpu.dot_dimension_numbers<[1], [1], [0], [0], [0, 0, 1, 0], [], []>, transpose_lhs_hint = false} : vector<10000x128xf32>, vector<128x128xf32>, vector<10000x128xf32> -> vector<10000x128xf32>
    %get3A_31 = arith.constant 0 : index
    %get3A_32 = arith.constant 0 : index
    %get3A_33 = vector.load %arg4[%get3A_31, %get3A_32] : memref<1x128xf32, #tpu.memory_space<vmem>>, vector<1x128xf32>
    %add3A_34 = vector.broadcast %get3A_33 : vector<1x128xf32> to vector<10000x128xf32>
    %add3A_35 = arith.addf %dot_general3A_30, %add3A_34 : vector<10000x128xf32>
    %max3A_36 = arith.constant 0.000000e+00 : f32
    %max3A_37 = vector.broadcast %max3A_36 : f32 to vector<10000x128xf32>
    %max3A_38 = arith.maximumf %add3A_35, %max3A_37 : vector<10000x128xf32>
    %swap3A = arith.constant 0 : index
    %swap3A_39 = arith.constant 0 : index
    %swap3A_40 = vector.load %arg5[%swap3A, %swap3A_39] : memref<10000x128xf32, #tpu.memory_space<vmem>>, vector<10000x128xf32>
    tpu.vector_store %arg5[%swap3A, %swap3A_39], %max3A_38 {strides = array<i32>} : memref<10000x128xf32, #tpu.memory_space<vmem>>, vector<10000x128xf32>,
    return
  }
}

module attributes {stable_mosaic.version = 14 : i64} {
  func.func @_tc_post_body(%arg0: memref<2x10240x128xf32, #tpu.memory_space<vmem>>, %arg1: memref<2x10240x128xf32, #tpu.memory_space<vmem>>, %arg2: memref<10000x128xf32, #tpu.memory_space<vmem>>, %arg3: memref<128x128xf32, #tpu.memory_space<vmem>>, %arg4: memref<1x128xf32, #tpu.memory_space<vmem>>, %arg5: memref<64x128xf32, #tpu.memory_space<vmem>>, %arg6: memref<1x64xf32, #tpu.memory_space<vmem>>, %arg7: memref<1x64xf32, #tpu.memory_space<vmem>>, %arg8: memref<1xf32, #tpu.memory_space<smem>>, %arg9: memref<1x1xf32, #tpu.memory_space<smem>>) attributes {dimension_semantics = [], scalar_prefetch = 0 : i64, scratch_operands = 0 : i64, tpu.core_type = #tpu.core_type<tc>} {
    %get3A = arith.constant 0 : index
    %get3A_0 = arith.constant 0 : index
    %get3A_1 = arith.constant 0 : index
    %get3A_2 = vector.load %arg0[%get3A, %get3A_0, %get3A_1] : memref<2x10240x128xf32, #tpu.memory_space<vmem>>, vector<1x10000x128xf32>
    %get3A_3 = vector.shape_cast %get3A_2 : vector<1x10000x128xf32> to vector<10000x128xf32>
    %get3A_4 = arith.constant 1 : index
    %get3A_5 = arith.constant 0 : index
    %get3A_6 = arith.constant 0 : index
    %get3A_7 = vector.load %arg0[%get3A_4, %get3A_5, %get3A_6] : memref<2x10240x128xf32, #tpu.memory_space<vmem>>, vector<1x10000x128xf32>
    %get3A_8 = vector.shape_cast %get3A_7 : vector<1x10000x128xf32> to vector<10000x128xf32>
    %add3A = arith.addf %get3A_3, %get3A_8 : vector<10000x128xf32>
    %get3A_9 = arith.constant 0 : index
    %get3A_10 = arith.constant 0 : index
    %get3A_11 = arith.constant 0 : index
    %get3A_12 = vector.load %arg1[%get3A_9, %get3A_10, %get3A_11] : memref<2x10240x128xf32, #tpu.memory_space<vmem>>, vector<1x10000x128xf32>
    %get3A_13 = vector.shape_cast %get3A_12 : vector<1x10000x128xf32> to vector<10000x128xf32>
    %get3A_14 = arith.constant 1 : index
    %get3A_15 = arith.constant 0 : index
    %get3A_16 = arith.constant 0 : index
    %get3A_17 = vector.load %arg1[%get3A_14, %get3A_15, %get3A_16] : memref<2x10240x128xf32, #tpu.memory_space<vmem>>, vector<1x10000x128xf32>
    %get3A_18 = vector.shape_cast %get3A_17 : vector<1x10000x128xf32> to vector<10000x128xf32>
    %add3A_19 = arith.addf %get3A_13, %get3A_18 : vector<10000x128xf32>
    %get3A_20 = arith.constant 0 : index
    %get3A_21 = arith.constant 0 : index
    %get3A_22 = vector.load %arg2[%get3A_20, %get3A_21] : memref<10000x128xf32, #tpu.memory_space<vmem>>, vector<10000x128xf32>
    %gt3A = arith.constant 0.000000e+00 : f32
    %gt3A_23 = vector.broadcast %gt3A : f32 to vector<10000x128xf32>
    %gt3A_24 = arith.cmpf ogt, %add3A_19, %gt3A_23 : vector<10000x128xf32>
    %max3A = arith.constant 1.000000e+00 : f32
    %max3A_25 = vector.broadcast %max3A : f32 to vector<10000x128xf32>
    %max3A_26 = arith.maximumf %add3A_19, %max3A_25 : vector<10000x128xf32>
    %div3A = arith.divf %add3A, %max3A_26 : vector<10000x128xf32>
    %select_n3A = arith.select %gt3A_24, %div3A, %get3A_22 : vector<10000x128xi1>, vector<10000x128xf32>
    %get3A_27 = arith.constant 0 : index
    %get3A_28 = arith.constant 0 : index
    %get3A_29 = vector.load %arg3[%get3A_27, %get3A_28] : memref<128x128xf32, #tpu.memory_space<vmem>>, vector<128x128xf32>
    %dot_general3A = arith.constant dense<0.000000e+00> : vector<10000x128xf32>
    %dot_general3A_30 = tpu.matmul %select_n3A, %get3A_29, %dot_general3A {dimension_numbers = #tpu.dot_dimension_numbers<[1], [1], [0], [0], [0, 0, 1, 0], [], []>, transpose_lhs_hint = false} : vector<10000x128xf32>, vector<128x128xf32>, vector<10000x128xf32> -> vector<10000x128xf32>
    %get3A_31 = arith.constant 0 : index
    %get3A_32 = arith.constant 0 : index
    %get3A_33 = vector.load %arg4[%get3A_31, %get3A_32] : memref<1x128xf32, #tpu.memory_space<vmem>>, vector<1x128xf32>
    %add3A_34 = vector.broadcast %get3A_33 : vector<1x128xf32> to vector<10000x128xf32>
    %add3A_35 = arith.addf %dot_general3A_30, %add3A_34 : vector<10000x128xf32>
    %max3A_36 = arith.constant 0.000000e+00 : f32
    %max3A_37 = vector.broadcast %max3A_36 : f32 to vector<10000x128xf32>
    %max3A_38 = arith.maximumf %add3A_35, %max3A_37 : vector<10000x128xf32>
    %reduce_sum3A = arith.constant dense<0.000000e+00> : vector<128xf32>
    %reduce_sum3A_39 = vector.multi_reduction <add>, %max3A_38, %reduce_sum3A [0] : vector<10000x128xf32> to vector<128xf32>
    %broadcast_in_dim3A = vector.shape_cast %reduce_sum3A_39 : vector<128xf32> to vector<1x128xf32>
    %div3A_40 = arith.constant 1.000000e+04 : f32
    %div3A_41 = vector.broadcast %div3A_40 : f32 to vector<1x128xf32>
    %div3A_42 = arith.divf %broadcast_in_dim3A, %div3A_41 : vector<1x128xf32>
    %get3A_43 = arith.constant 0 : index
    %get3A_44 = arith.constant 0 : index
    %get3A_45 = vector.load %arg5[%get3A_43, %get3A_44] : memref<64x128xf32, #tpu.memory_space<vmem>>, vector<64x128xf32>
    %dot_general3A_46 = arith.constant dense<0.000000e+00> : vector<1x64xf32>
    %dot_general3A_47 = tpu.matmul %div3A_42, %get3A_45, %dot_general3A_46 {dimension_numbers = #tpu.dot_dimension_numbers<[1], [1], [0], [0], [0, 0, 1, 0], [], []>, transpose_lhs_hint = false} : vector<1x128xf32>, vector<64x128xf32>, vector<1x64xf32> -> vector<1x64xf32>
    %get3A_48 = arith.constant 0 : index
    %get3A_49 = arith.constant 0 : index
    %get3A_50 = vector.load %arg6[%get3A_48, %get3A_49] : memref<1x64xf32, #tpu.memory_space<vmem>>, vector<1x64xf32>
    %add3A_51 = arith.addf %dot_general3A_47, %get3A_50 : vector<1x64xf32>
    %get3A_52 = arith.constant 0 : index
    %get3A_53 = arith.constant 0 : index
    %get3A_54 = vector.load %arg7[%get3A_52, %get3A_53] : memref<1x64xf32, #tpu.memory_space<vmem>>, vector<1x64xf32>
    %mul3A = arith.mulf %add3A_51, %get3A_54 : vector<1x64xf32>
    %reduce_sum3A_55 = vector.shape_cast %mul3A : vector<1x64xf32> to vector<1x1x64xf32>
    %reduce_sum3A_56 = arith.constant dense<0.000000e+00> : vector<1xf32>
    %reduce_sum3A_57 = vector.multi_reduction <add>, %reduce_sum3A_55, %reduce_sum3A_56 [1, 2] : vector<1x1x64xf32> to vector<1xf32>
    %reduce_sum3A_58 = vector.shape_cast %reduce_sum3A_57 : vector<1xf32> to vector<1x1x1xf32>
    %reduce_sum3A_59 = vector.extract %reduce_sum3A_58[0, 0, 0] : f32 from vector<1x1x1xf32>
    %get3A_60 = arith.constant 0 : index
    %get3A_61 = memref.load %arg8[%get3A_60] : memref<1xf32, #tpu.memory_space<smem>>
    %add3A_62 = arith.addf %reduce_sum3A_59, %get3A_61 : f32
    %swap3A = arith.constant 0 : index
    %swap3A_63 = arith.constant 0 : index
    %swap3A_64 = memref.load %arg9[%swap3A, %swap3A_63] : memref<1x1xf32, #tpu.memory_space<smem>>
    memref.store %add3A_62, %arg9[%swap3A, %swap3A_63] : memref<1x1xf32, #tpu.memory_space<smem>>
    return
  }
}

</mosaic_0001>

<sc_bundles>
// kernel: kernel.6.cloned.1.call-start
scs
__scs_entry_jumppad:
0x0: {  	(pc) =	sbr.rel $0x88, $3  }
0x1: {  	(tag) =	ssettag $0x0;
	lr =	simm.s32 $0x1  }
0x2: {  	[smem:$0x3F97] =	sst lr;
	_ =	strace $0xD0000000  }
0x3: {  	_ = 	snop  }
0x4: {  	_ = 	snop  }
0x5: {  	_ = 	snop  }
0x6: {  	_ = 	snop  }
0x7: {  	_ = 	snop  }
__scs_overlays_trampoline_lowered:
0x8: {  	[smem:$0x3FA6] =	sst s0  }
0x9: {  	[smem:$0x3FA7] =	sst s1  }
0xa: {  	[smem:$0x3FA8] =	sst s2  }
0xb: {  	[smem:$0x3FA9] =	sst s3  }
0xc: {  	[smem:$0x3FAA] =	sst s4  }
0xd: {  	[smem:$0x3FAB] =	sst s5  }
0xe: {  	[smem:$0x3FAC] =	sst s6  }
0xf: {  	[smem:$0x3FAD] =	sst s7  }
0x10: {  	[smem:$0x3FAE] =	sst s8  }
0x11: {  	[smem:$0x3FAF] =	sst s9;
	s0 =	simm.s32 @!p0 $0x0  }
0x12: {  	s1 =	sld [smem:$0x3F95];
	s0 =	simm.s32 @p0 $0x1  }
0x13: {  	[smem:$0x3FB0] =	sst s0;
	s0 =	simm.s32 @!p1 $0x0  }
0x14: {  	s2 =	sld [smem:$0x3F94];
	s0 =	simm.s32 @p1 $0x1  }
0x15: {  	[smem:$0x3FB1] =	sst s0;
	s0 =	simm.s32 @!p2 $0x0  }
0x16: {  	s3 =	sld [smem:$0x3FDB];
	s0 =	simm.s32 @p2 $0x1  }
0x17: {  	s4 =	simm.s32 $0x1BF5;
	[smem:$0x3FB3] =	sst s0  }
0x18: {  	s0 =	sld [smem:$0x3F96];
	_ =	swait.ge [sflag:s4], $0x0  }
0x19: {  	s7 =	sld [smem:$0x3F97]  }
0x1a: {  	s8 =	sadd.s32 $0xFFFFE003, lr  }
0x1b: {  	s9 =	sadd.s32 $0xFFFFFEF7, lr;
	s5 =	simm.s32 $0xFFFFFFFF;
	p2 =	slt.u32 s8, $0xFFFFF086  }
0x1c: {  	p1 =	slt.u32 s9, $0xF7A;
	s5 =	simm.s32 @!p2 $0x0  }
0x1d: {  	s5 =	simm.s32 @p1 $0x1;
	p0 =	seq.s32 s7, s2  }
0x1e: {  	s7 =	smul.u32 @!p0 $0xF7A, s2;
	p2 =	seq.s32 @!p0 s5, $0x0  }
0x1f: {  	s9 =	smul.u32 $0xF7A, s1;
	s8 =	simm.s32 @!p0 $0x1BF5;
	p2 =	por !p2, p0  }
0x20: {  	[sflag:s8] =	ssyncset.s32 @!p0 $0xFFFFF086;
	s6 =	sadd.s32 @!p0 s3, s7;
	s7 =	simm.s32 @!p0 $0x108  }
0x21: {  	s3 =	sadd.s32 s3, s9;
	s6 =	sadd.s32 @!p0 $0x88, s6;
	s7 =	simm.s32 @p2 $0x1082  }
0x22: {  	[simem:s7], [sflag:s8] =	dma.local @!p0 [hbm:s6], $0xF7A  }
0x23: {  	s9 =	sor.u32 $0xD0000000, s2;
	s6 =	simm.s32 $0x108;
	_ =	swait.ge @!p0 [sflag:s8], $0x0  }
0x24: {  	s3 =	sadd.s32 $0x88, s3;
	s6 =	simm.s32 @!p1 $0x1082;
	[sflag:s4] =	ssyncset.s32 $0xFFFFF086  }
0x25: {  	[simem:s6], [sflag:s4] =	dma.local [hbm:s3], $0xF7A  }
0x26: {  	[smem:$0x3F97] =	sst s1;
	(tag) =	ssettag s2;
	_ =	strace s9  }
0x27: {  	s1 =	sld [smem:$0x3FA7]  }
0x28: {  	s2 =	sld [smem:$0x3FA8]  }
0x29: {  	s4 =	sld [smem:$0x3FAA]  }
0x2a: {  	p0 =	seq.s32 s5, $0x0;
	s5 =	sld [smem:$0x3FAB]  }
0x2b: {  	s6 =	sld [smem:$0x3FAC]  }
0x2c: {  	s7 =	sld [smem:$0x3FAD]  }
0x2d: {  	s3 =	simm.s32 $0x108;
	s8 =	sld [smem:$0x3FAE]  }
0x2e: {  	s3 =	simm.s32 @!p0 $0x1082;
	s9 =	sld [smem:$0x3FAF]  }
0x2f: {  	lr =	sadd.s32 s0, s3;
	s0 =	sld [smem:$0x3FA6]  }
0x30: {  	s3 =	sld [smem:$0x3FA9]  }
0x31: {  	[smem:$0x3FB2] =	sst s10  }
0x32: {  	s10 =	sld [smem:$0x3FB0];
	_ =	sdelay $0x3  }
0x33: {  	p0 =	seq.s32 s10, $0x1;
	s10 =	sld [smem:$0x3FB2];
	_ =	sdelay $0x3  }
0x34: {  	[smem:$0x3FB2] =	sst s10  }
0x35: {  	s10 =	sld [smem:$0x3FB1];
	_ =	sdelay $0x3  }
0x36: {  	p1 =	seq.s32 s10, $0x1;
	s10 =	sld [smem:$0x3FB2];
	_ =	sdelay $0x3  }
0x37: {  	[smem:$0x3FB2] =	sst s10  }
0x38: {  	s10 =	sld [smem:$0x3FB3]  }
0x39: {  	_ = 	snop;
	(pc) =	sbr.ind lr, $3  }
0x3a: {  	_ = 	snop  }
0x3b: {  	_ = 	snop  }
0x3c: {  	p2 =	seq.s32 s10, $0x1;
	s10 =	sld [smem:$0x3FB2]  }
0x3d: {  	_ =	shalt  }
0x3e: {  	_ =	shalt  }
0x3f: {  	_ =	shalt  }
0x40: {  	_ =	shalt  }
0x41: {  	_ =	shalt  }
0x42: {  	_ =	shalt  }
0x43: {  	_ =	shalt  }
0x44: {  	_ =	shalt  }
0x45: {  	_ =	shalt  }
0x46: {  	_ =	shalt  }
0x47: {  	_ =	shalt  }
0x48: {  	_ =	shalt  }
0x49: {  	_ =	shalt  }
0x4a: {  	_ =	shalt  }
0x4b: {  	_ =	shalt  }
0x4c: {  	_ =	shalt  }
0x4d: {  	_ =	shalt  }
0x4e: {  	_ =	shalt  }
0x4f: {  	_ =	shalt  }
0x50: {  	_ =	shalt  }
0x51: {  	_ =	shalt  }
0x52: {  	_ =	shalt  }
0x53: {  	_ =	shalt  }
0x54: {  	_ =	shalt  }
0x55: {  	_ =	shalt  }
0x56: {  	_ =	shalt  }
0x57: {  	_ =	shalt  }
0x58: {  	_ =	shalt  }
0x59: {  	_ =	shalt  }
0x5a: {  	_ =	shalt  }
0x5b: {  	_ =	shalt  }
0x5c: {  	_ =	shalt  }
0x5d: {  	_ =	shalt  }
0x5e: {  	_ =	shalt  }
0x5f: {  	_ =	shalt  }
0x60: {  	_ =	shalt  }
0x61: {  	_ =	shalt  }
0x62: {  	_ =	shalt  }
0x63: {  	_ =	shalt  }
0x64: {  	_ =	shalt  }
0x65: {  	_ =	shalt  }
0x66: {  	_ =	shalt  }
0x67: {  	_ =	shalt  }
0x68: {  	_ =	shalt  }
0x69: {  	_ =	shalt  }
0x6a: {  	_ =	shalt  }
0x6b: {  	_ =	shalt  }
0x6c: {  	_ =	shalt  }
0x6d: {  	_ =	shalt  }
0x6e: {  	_ =	shalt  }
0x6f: {  	_ =	shalt  }
0x70: {  	_ =	shalt  }
0x71: {  	_ =	shalt  }
0x72: {  	_ =	shalt  }
0x73: {  	_ =	shalt  }
0x74: {  	_ =	shalt  }
0x75: {  	_ =	shalt  }
0x76: {  	_ =	shalt  }
0x77: {  	_ =	shalt  }
0x78: {  	_ =	shalt  }
0x79: {  	_ =	shalt  }
0x7a: {  	_ =	shalt  }
0x7b: {  	_ =	shalt  }
0x7c: {  	_ =	shalt  }
0x7d: {  	_ =	shalt  }
0x7e: {  	_ =	shalt  }
0x7f: {  	_ =	shalt  }
0x80: {  	_ =	shalt  }
0x81: {  	_ =	shalt  }
0x82: {  	_ =	shalt  }
0x83: {  	_ =	shalt  }
0x84: {  	_ =	shalt  }
0x85: {  	_ =	shalt  }
0x86: {  	_ =	shalt  }
0x87: {  	_ =	shalt  }
.Lfunc_end0:
.L_simem_size_0:
called_computation_lowered:
.L_overlay_start_0:
0x88: {  	s2 =	sld [smem:$0x3FD9]  }
0x89: {  	s3 =	sld [smem:$0x3FFE];
	_ =	sdelay $0x1  }
0x8a: {  	s1 =	srdreg.scid  }
0x8b: {  	s0 =	sand.u32 $0x1, s1  }
0x8c: {  	s17 =	sshll.u32 s0, $0xA;
	s2 =	sadd.s32 s3, s2  }
0x8d: {  	s2 =	sadd.s32 s2, s17  }
0x8e: {  	[smem:$0x3FBE] =	sst s2  }
0x8f: {  	_ = 	snop  }
0x90: {  	s2 =	sld [smem:$0x3FC9];
	(tm) =	ssettm $0x1  }
0x91: {  	s18 =	sld [smem:$0x3FFB];
	_ =	sdelay $0x3  }
0x92: {  	_ =	strace s18  }
0x93: {  	s3 =	sld [smem:$0x3FFC];
	_ =	sdelay $0x3  }
0x94: {  	_ =	strace s3  }
0x95: {  	s3 =	sld [smem:$0x3FFD];
	_ =	sdelay $0x3  }
0x96: {  	_ =	strace s3  }
0x97: {  	_ =	strace $0x8FFFFFFF  }
0x98: {  	s19 =	sld [smem:$0x3FDB];
	_ =	sdelay $0x1  }
0x99: {  	s4 =	simm.s32 $_scs_section_size  }
0x9a: {  	s5 =	simm.s32 $_size__tile_overlayer_lowered;
	s6 =	simm.s32 $_tile_overlayer_lowered  }
0x9b: {  	s22 =	simm.s32 $0x1BFF;
	s21 =	sshll.u32 s6, $0x1;
	s3 =	sadd.s32 s4, s19  }
0x9c: {  	s7 =	simm.s32 $0x0;
	s20 =	sshll.u32 s5, $0x1;
	s5 =	sadd.s32 s21, s3  }
0x9d: {  	[timem:s7], [sflag:s22] =	dma.local [hbm:s5], s20  }
0x9e: {  	_ =	swait.ge [sflag:s22], s20  }
0x9f: {  	s4 =	ssub.s32 $0x0, s20;
	[sflag:s22] =	ssyncset.done $0x0  }
0xa0: {  	[sflag:s22] =	ssyncadd.s32 s4;
	_ =	sdelay $0x1  }
0xa1: {  	s23 =	simm.s32 $0x1B8B  }
0xa2: {  	_ =	swait.ge [sflag:s23], $0x1  }
0xa3: {  	[sflag:s23] =	ssyncset.done $0x0  }
0xa4: {  	s25 =	simm.s32 $0x1B8E;
	s24 =	sld [smem:$0x3FFE];
	[sflag:s23] =	ssyncadd.s32 $0xFFFFFFFF  }
0xa5: {  	s26 =	simm.s32 $execute0_lowered;
	[smem:$0x3FD2] =	sst s25  }
0xa6: {  	s5 =	sshll.u32 s26, $0x1;
	_ =	strace $0x80000046;
	[dreg:$0x1] =	wrdreg $0xFFFFFFFF  }
0xa7: {  	s28 =	simm.s32 $_size_execute0_lowered;
	s3 =	sadd.s32 s3, s5;
	[dreg:$0x0] =	wrdreg $0x0  }
0xa8: {  	s5 =	sshll.u32 s28, $0x1;
	[dreg:$0x2] =	wrdreg s3  }
0xa9: {  	[dreg:$0x3] =	wrdreg s5  }
0xaa: {  	[dreg:$0x4] =	wrdreg $0xC0  }
0xab: {  	_ =	task [dreg:s7], $0x5FFFF  }
0xac: {  	[dreg:$0x1] =	wrdreg $0xFFFFFFFF  }
0xad: {  	[dreg:$0x0] =	wrdreg $0x60  }
0xae: {  	[dreg:$0x2] =	wrdreg s2  }
0xaf: {  	[dreg:$0x3] =	wrdreg s24  }
0xb0: {  	[dreg:$0x4] =	wrdreg $0x0  }
0xb1: {  	[dreg:$0x5] =	wrdreg $0x9  }
0xb2: {  	_ =	task.clear_ibuf [dreg:s7], $0x6FFFF;
	_ =	strace $0x90000046  }
0xb3: {  	s29 =	simm.s32 $0x9;
	_ =	strace $0x80000048  }
0xb4: {  	_ =	swait.ge [sflag:s29], $0x1  }
0xb5: {  	[sflag:s29] =	ssyncadd.s32 $0xFFFFFFFF  }
0xb6: {  	_ =	strace $0x90000048  }
0xb7: {  	_ =	sfence  }
0xb8: {  	s30 =	sld [smem:$0x0];
	_ =	sdelay $0x2  }
0xb9: {  	s31 =	sshll.u32 s1, $0xD;
	s1 =	sshrl.u32 s1, $0x2  }
0xba: {  	s3 =	sand.u32 $0x4000, s31;
	s1 =	sadd.s32 s1, s30  }
0xbb: {  	s0 =	sor.u32 s3, s0;
	s1 =	sshll.u32 s1, $0x11  }
0xbc: {  	s0 =	sor.u32 s1, s0  }
0xbd: {  	s0 =	sadd.s32 $0x8F2B, s0  }
0xbe: {  	[sflag:s0] =	ssyncadd.remote.s32 $0x1  }
0xbf: {  	_ =	sfence.sel $0xFFFF  }
0xc0: {  	[dreg:$0x0] =	wrdreg $0xFFFFFFFF;
	(pc) =	sbr.abs _section_cstart, $3  }
0xc1: {  	[dreg:$0x1] =	wrdreg $0xFFFFFFFF  }
0xc2: {  	_ =	task.clear_ibuf [dreg:s7], $0x2FFFF;
	_ =	strace $0x9FFFFFFF  }
0xc3: {  	(tm) =	ssettm $0x7FFFFFFF  }
tec
execute0_lowered:
.L_overlay_start_1:
0x0: {  	(tag) =	ssettag $0x1  }
0x1: {  	s1 =	rddreg [dreg:$0x0]  }
0x2: {  	s2 =	srdreg.scid;
	s8 =	rddreg [dreg:$0x1]  }
0x3: {  	s0 =	stileid.u32;
	s3 =	rddreg [dreg:$0x2]  }
0x4: {  	s16 =	simm.s32 $0x0;
	s28 =	simm.s32 $0x1;
	s29 =	simm.s32 $0x5  }
0x5: {  	s30 =	simm.s32 $0x0;
	s2 =	sand.u32 $0x1, s2;
	s4 =	sshll.u32 s0, $0x1  }
0x6: {  	[smem:$0x7FF] =	sst s16;
	s9 =	smul.u32 $0x14000, s0;
	s5 =	sadd.s32 $0x2400, s8  }
0x7: {  	s6 =	sadd.s32 $0xC200, s8;
	s18 =	smul.u32 $0x50000, s0;
	s19 =	sadd.s32 $0x48000, s8  }
0x8: {  	s20 =	sshll.u32 s0, $0x6;
	s12 =	sor.u32 s2, s4;
	_ =	strace $0x80000047  }
0x9: {  	s10 =	smul.u32 $0x140000, s2;
	[dreg:$0x5] =	wrdreg s19;
	s14 =	ssub.s32 $0x2, s2  }
0xa: {  	s2 =	sshll.u32 s2, $0x7;
	s7 =	smul.u32 $0x500, s12;
	s17 =	sshrl.u32 s9, $0x3  }
0xb: {  	s15 =	sshrl.u32 s14, $0x1;
	s23 =	ssub.s32 $0x9E3, s12;
	s24 =	sshll.u32 s12, $0x4  }
0xc: {  	s13 =	sadd.s32 s17, s8;
	s9 =	sadd.s32 s9, s10;
	s17 =	smul.u32 $0xFFFFFFB0, s12  }
0xd: {  	s10 =	sshrl.u32 s18, $0x2;
	s18 =	ssub.s32 s14, s15;
	s12 =	sshrl.u32 s23, $0x5  }
0xe: {  	s25 =	sadd.s32 s5, s24;
	s26 =	sadd.s32 s6, s24;
	s23 =	simm.s32 $0x14000  }
0xf: {  	s24 =	simm.s32 $0x14100;
	s11 =	sadd.s32 s7, s8;
	[dreg:$0x8] =	wrdreg s25  }
0x10: {  	s9 =	sshrl.u32 s9, $0x3;
	s19 =	sadd.s32 s10, s3;
	[dreg:$0x9] =	wrdreg s26  }
0x11: {  	s31 =	sadd.s32 $0x1, s12;
	s25 =	simm.s32 $0x3;
	s26 =	simm.s32 $0x14200  }
0x12: {  	s16 =	sadd.s32 s9, s8;
	s8 =	sadd.s32 $0x20000, s13;
	p0 =	slt.s32 s17, $0xFFFFF68C  }
0x13: {  	s9 =	sor.u32 $0x1C04, s20;
	s21 =	sadd.s32 $0x16000, s11;
	s20 =	sshll.u32 s0, $0x8  }
0x14: {  	s19 =	sshrl.u32 s19, $0x3;
	[dreg:$0x6] =	wrdreg s21;
	s17 =	simm.s32 @!p0 $0xFFFFF68C  }
0x15: {  	s22 =	sadd.s32 $0x98800, s16;
	s15 =	sadd.s32 $0x48800, s16;
	s16 =	smax.u32 s18, $0x1  }
0x16: {  	s18 =	sand.u32 $0x5E, s31;
	s2 =	sor.u32 s2, s20;
	s20 =	simm.s32 $0x4  }
0x17: {  	s21 =	simm.s32 $0x18200;
	[dreg:$0x7] =	wrdreg s22;
	s17 =	sadd.s32 $0x9C3, s17  }
0x18: {  	[dreg:$0x4] =	wrdreg s18;
	s2 =	sor.u32 $0x1000, s2;
	s22 =	simm.s32 $0x80  }
.LBB2_1:
0x19: {  	[spmem:s19], [sflag:s9] =	dma.local [hbm:s8], $0x2800  }
0x1a: {  	_ =	swait.ge [sflag:s20], $0x2800  }
0x1b: {  	[sflag:s20] =	ssyncset.done $0x0  }
0x1c: {  	s0 =	simm.s32 $0x0;
	s4 =	rddreg [dreg:$0x5];
	[sflag:s20] =	ssyncadd.s32 $0xFFFFD800  }
0x1d: {  	[tilespmem:s21], [sflag:$0x4] =	stream.linear.gather [hbm4b:s4+s0], $0x4000, $0x38;
	[tilespmem:$0x1EA00] =	vst v63  }
0x1e: {  	_ =	swait.ge [sflag:s20], $0x4000  }
0x1f: {  	[sflag:s20] =	ssyncset.done $0x0  }
0x20: {  	s18 =	simm.s32 $0x1C200;
	s14 =	rddreg [dreg:$0x6];
	[sflag:s20] =	ssyncadd.s32 $0xFFFFC000  }
0x21: {  	[tilespmem:s18], [sflag:$0x4] =	stream.linear.gather [hbm4b:s14+s0], $0x2800, $0x38;
	[tilespmem:$0x1EA00] =	vst v63  }
0x22: {  	_ =	swait.ge [sflag:s20], $0x2800  }
0x23: {  	p0 =	sgt.u32 s17, $0x0;
	[sflag:s20] =	ssyncset.done $0x0  }
.Ltmp0:
0x24: {  	[sflag:s20] =	ssyncadd.s32 $0xFFFFD800;
	(pc) =	sbr.rel @!p0 .LBB2_3-.Ltmp0, $4  }
0x25: {  	[bflag:$0x0] =	sbarrier.arrive $0xFFFF  }
0x26: {  	[spmem:s3] =	stream.indirect.scatter.add.f32 [tilespmem:s21], [sflag:$0x4], $0x80, s18, s22, $0xb8;
	[tilespmem:$0x1EA00] =	vst v63  }
0x27: {  	_ =	swait.ge [sflag:s20], $0x4000  }
0x28: {  	s31 =	simm.s32 $0x0;
	[sflag:s20] =	ssyncset.done $0x0  }
.LBB2_2:
0x29: {  	s31 =	sadd.s32 $0x1, s31  }
0x2a: {  	[sflag:s20] =	ssyncadd.s32 $0xFFFFC000;
	s18 =	sadd.s32 $0x80, s18;
	p0 =	slt.u32 s31, s17  }
.Ltmp1:
0x2b: {  	(pc) =	sbr.rel @p0 .LBB2_2-.Ltmp1, $4  }
0x2c: {  	_ = 	snop  }
0x2d: {  	[spmem:s3] =	stream.indirect.scatter.add.f32 [tilespmem:s21], [sflag:$0x4], $0x80, s18, s22, $0xb8;
	[tilespmem:$0x1EA00] =	vst v63  }
0x2e: {  	_ =	swait.ge [sflag:s20], $0x4000  }
0x2f: {  	[sflag:s20] =	ssyncset.done $0x0  }
.LBB2_3:
0x30: {  	[sflag:s20] =	ssyncadd.s32 $0xFFFFC000  }
0x31: {  	[bflag:$0x0] =	sbarrier.arrive $0xFFFF  }
0x32: {  	s0 =	rddreg [dreg:$0x7]  }
0x33: {  	[hbm:s0], [sflag:s9] =	dma.local [spmem:s19], $0x2800  }
0x34: {  	_ =	swait.ge [sflag:s20], $0x2800  }
0x35: {  	[sflag:s20] =	ssyncset.done $0x0  }
0x36: {  	[sflag:s20] =	ssyncadd.s32 $0xFFFFD800  }
0x37: {  	[spmem:s19], [sflag:s9] =	dma.local [hbm:s8], $0x2800  }
0x38: {  	_ =	swait.ge [sflag:s20], $0x2800  }
0x39: {  	[sflag:s20] =	ssyncset.done $0x0  }
0x3a: {  	[sflag:s20] =	ssyncadd.s32 $0xFFFFD800  }
0x3b: {  	[bflag:$0x0] =	sbarrier.arrive $0xFFFF  }
0x3c: {  	s31 =	simm.s32 $0x0;
	s14 =	rddreg [dreg:$0x8]  }
0x3d: {  	[tilespmem:s23], [sflag:$0x3] =	stream.linear.gather [hbm4b:s14+s31], $0x80, $0x38;
	[tilespmem:$0x1EA00] =	vst v63  }
0x3e: {  	s18 =	rddreg [dreg:$0x9]  }
0x3f: {  	[tilespmem:s24], [sflag:$0x3] =	stream.linear.gather [hbm4b:s18+s31], $0x80, $0x38;
	[tilespmem:$0x1EA00] =	vst v63  }
0x40: {  	_ =	swait.ge [sflag:s25], $0x80  }
0x41: {  	[sflag:s25] =	ssyncset.done $0x0  }
0x42: {  	[sflag:s25] =	ssyncadd.s32 $0xFFFFFF80  }
0x43: {  	_ =	swait.ge [sflag:s25], $0x80  }
0x44: {  	[sflag:s25] =	ssyncset.done $0x0  }
0x45: {  	s18 =	smov.u32 s2;
	[sflag:s25] =	ssyncadd.s32 $0xFFFFFF80  }
0x46: {  	[tilespmem:s26], [sflag:$0x1] =	stream.indirect.gather [hbm4b:s1+s22], $0x80, s23, s22, $0xb8;
	[tilespmem:$0x1EA00] =	vst v63  }
.LBB2_4:
0x47: {  	s0 =	sadd.s32 $0x1, s31  }
0x48: {  	p0 =	sge.u32 s0, s12  }
0x49: {  	s0 =	sshrl.u32 @!p0 s18, $0x3  }
0x4a: {  	s7 =	simm.s32 @!p0 $0x0;
	s10 =	simm.s32 @!p0 $0x14080;
	s4 =	sadd.s32 @!p0 s5, s0  }
0x4b: {  	[tilespmem:s10], [sflag:$0x3] =	stream.linear.gather @!p0 [hbm4b:s4+s7], $0x80, $0x38;
	[tilespmem:$0x1EA00] =	vst v63  }
0x4c: {  	s0 =	sadd.s32 @!p0 s6, s0;
	s4 =	simm.s32 @!p0 $0x14180  }
0x4d: {  	[tilespmem:s4], [sflag:$0x3] =	stream.linear.gather @!p0 [hbm4b:s0+s7], $0x80, $0x38;
	[tilespmem:$0x1EA00] =	vst v63  }
0x4e: {  	s0 =	simm.s32 @!p0 $0x3  }
0x4f: {  	_ =	swait.ge @!p0 [sflag:s0], $0x80  }
0x50: {  	[sflag:s0] =	ssyncset.done @!p0 $0x0  }
0x51: {  	[sflag:s0] =	ssyncadd.s32 @!p0 $0xFFFFFF80  }
0x52: {  	_ =	swait.ge @!p0 [sflag:s0], $0x80  }
0x53: {  	[sflag:s0] =	ssyncset.done @!p0 $0x0  }
0x54: {  	s7 =	simm.s32 @!p0 $0x18200;
	[sflag:s0] =	ssyncadd.s32 @!p0 $0xFFFFFF80;
	s0 =	simm.s32 @!p0 $0x80  }
0x55: {  	[tilespmem:s7], [sflag:$0x2] =	stream.indirect.gather @!p0 [hbm4b:s1+s0], $0x80, s10, s0, $0xb8;
	[tilespmem:$0x1EA00] =	vst v63  }
0x56: {  	_ =	swait.ge [sflag:s28], $0x4000  }
0x57: {  	s31 =	sadd.s32 $0x2, s31;
	[sflag:s28] =	ssyncset.done $0x0  }
0x58: {  	p1 =	sge.u32 s31, s12;
	[sflag:s28] =	ssyncadd.s32 $0xFFFFC000  }
0x59: {  	[spmem:s3] =	stream.indirect.scatter.add.f32 [tilespmem:s26], [sflag:$0x5], $0x80, s24, s22, $0xb8;
	[tilespmem:$0x1EA00] =	vst v63  }
0x5a: {  	s10 =	sadd.s32 @!p1 $0x1000, s18;
	_ =	swait.ge [sflag:s29], $0x4000  }
0x5b: {  	s13 =	simm.s32 @!p1 $0x0;
	s10 =	sshrl.u32 @!p1 s10, $0x3;
	[sflag:s29] =	ssyncset.done $0x0  }
0x5c: {  	s14 =	simm.s32 @!p1 $0x14000;
	s11 =	sadd.s32 @!p1 s5, s10;
	[sflag:s29] =	ssyncadd.s32 $0xFFFFC000  }
0x5d: {  	[tilespmem:s14], [sflag:$0x3] =	stream.linear.gather @!p1 [hbm4b:s11+s13], $0x80, $0x38;
	[tilespmem:$0x1EA00] =	vst v63  }
0x5e: {  	s10 =	sadd.s32 @!p1 s6, s10;
	s11 =	simm.s32 @!p1 $0x14100  }
0x5f: {  	[tilespmem:s11], [sflag:$0x3] =	stream.linear.gather @!p1 [hbm4b:s10+s13], $0x80, $0x38;
	[tilespmem:$0x1EA00] =	vst v63  }
0x60: {  	s10 =	simm.s32 @!p1 $0x3  }
0x61: {  	_ =	swait.ge @!p1 [sflag:s10], $0x80  }
0x62: {  	[sflag:s10] =	ssyncset.done @!p1 $0x0  }
0x63: {  	[sflag:s10] =	ssyncadd.s32 @!p1 $0xFFFFFF80  }
0x64: {  	_ =	swait.ge @!p1 [sflag:s10], $0x80  }
0x65: {  	[sflag:s10] =	ssyncset.done @!p1 $0x0  }
0x66: {  	s11 =	simm.s32 @!p1 $0x14200;
	[sflag:s10] =	ssyncadd.s32 @!p1 $0xFFFFFF80;
	s10 =	simm.s32 @!p1 $0x80  }
0x67: {  	[tilespmem:s11], [sflag:$0x1] =	stream.indirect.gather @!p1 [hbm4b:s1+s10], $0x80, s14, s10, $0xb8;
	[tilespmem:$0x1EA00] =	vst v63  }
0x68: {  	s10 =	simm.s32 @!p0 $0x2  }
0x69: {  	_ =	swait.ge @!p0 [sflag:s10], $0x4000  }
0x6a: {  	[sflag:s10] =	ssyncset.done @!p0 $0x0  }
0x6b: {  	[sflag:s10] =	ssyncadd.s32 @!p0 $0xFFFFC000  }
0x6c: {  	[spmem:s3] =	stream.indirect.scatter.add.f32 @!p0 [tilespmem:s7], [sflag:$0x4], $0x80, s4, s0, $0xb8;
	[tilespmem:$0x1EA00] =	vst v63  }
0x6d: {  	s0 =	simm.s32 @!p0 $0x4  }
0x6e: {  	_ =	swait.ge @!p0 [sflag:s0], $0x4000  }
0x6f: {  	s14 =	rddreg [dreg:$0x4]  }
0x70: {  	p1 =	sne.s32 s14, s31  }
.Ltmp2:
0x71: {  	_ = 	snop;
	(pc) =	sbr.rel @p1 .LBB2_4-.Ltmp2, $3  }
0x72: {  	_ =	sdelay $0x1  }
0x73: {  	[sflag:s0] =	ssyncset.done @!p0 $0x0  }
0x74: {  	s18 =	sadd.s32 $0x2000, s18;
	[sflag:s0] =	ssyncadd.s32 @!p0 $0xFFFFC000  }
0x75: {  	s30 =	sadd.s32 $0x1, s30  }
0x76: {  	p0 =	sne.s32 s30, s16  }
.Ltmp3:
0x77: {  	[bflag:$0x0] =	sbarrier.arrive $0xFFFF;
	(pc) =	sbr.rel @p0 .LBB2_1-.Ltmp3, $4  }
0x78: {  	[hbm:s15], [sflag:s9] =	dma.local [spmem:s19], $0x2800  }
0x79: {  	_ =	swait.ge [sflag:s20], $0x2800  }
0x7a: {  	[sflag:s20] =	ssyncset.done $0x0  }
0x7b: {  	[sflag:s20] =	ssyncadd.s32 $0xFFFFD800  }
0x7c: {  	_ =	sfence.sel $0x180000  }
0x7d: {  	[bflag:$0x0] =	sbarrier.arrive $0xFFFF  }
0x7e: {  	_ =	strace $0x90000047  }
0x7f: {  	s0 =	stileid.u32;
	[bflag:$0x2] =	sbarrier.arrive $0xFFFF  }
0x80: {  	p0 =	sne.s32 s0, $0x0;
	s0 =	rddreg [dreg:$0x3]  }
0x81: {  	s0 =	sadd.s32 @!p0 $0x100000, s0  }
0x82: {  	[sflag:s0] =	ssyncadd.tile.s32 @!p0 $0x1;
	_ =	shalt  }
.Lfunc_end2:
_tile_overlayer_lowered:
.L_overlay_start_2:
0x83: {  	(tag) =	ssettag $0x2  }
0x84: {  	s0 =	rddreg [dreg:$0x0];
	s2 =	stileid.u32  }
0x85: {  	s1 =	rddreg [dreg:$0x1];
	p0 =	sne.s32 s2, $0x0  }
0x86: {  	s3 =	rddreg [dreg:$0x2];
	[bflag:$0x3] =	sbarrier.arrive $0xFFFF;
	s2 =	simm.s32 @!p0 $0x1C04  }
0x87: {  	[timem:s3], [sflag:s2] =	dma.local @!p0 [hbm:s0], s1  }
0x88: {  	s0 =	simm.s32 @!p0 $0x4  }
0x89: {  	_ =	swait.ge @!p0 [sflag:s0], s1  }
0x8a: {  	s1 =	ssub.s32 @!p0 $0x0, s1;
	[sflag:s0] =	ssyncset.done @!p0 $0x0  }
0x8b: {  	[sflag:s0] =	ssyncadd.s32 @!p0 s1  }
0x8c: {  	[bflag:$0x3] =	sbarrier.arrive $0xFFFF  }
0x8d: {  	_ =	shalt  }

// kernel: kernel.9.cloned.1.call-start
scs
__scs_entry_jumppad:
0x0: {  	(pc) =	sbr.rel $0x88, $3  }
0x1: {  	(tag) =	ssettag $0x0;
	lr =	simm.s32 $0x1  }
0x2: {  	[smem:$0x3F97] =	sst lr;
	_ =	strace $0xD0000000  }
0x3: {  	_ = 	snop  }
0x4: {  	_ = 	snop  }
0x5: {  	_ = 	snop  }
0x6: {  	_ = 	snop  }
0x7: {  	_ = 	snop  }
__scs_overlays_trampoline_lowered:
0x8: {  	[smem:$0x3FA6] =	sst s0  }
0x9: {  	[smem:$0x3FA7] =	sst s1  }
0xa: {  	[smem:$0x3FA8] =	sst s2  }
0xb: {  	[smem:$0x3FA9] =	sst s3  }
0xc: {  	[smem:$0x3FAA] =	sst s4  }
0xd: {  	[smem:$0x3FAB] =	sst s5  }
0xe: {  	[smem:$0x3FAC] =	sst s6  }
0xf: {  	[smem:$0x3FAD] =	sst s7  }
0x10: {  	[smem:$0x3FAE] =	sst s8  }
0x11: {  	[smem:$0x3FAF] =	sst s9;
	s0 =	simm.s32 @!p0 $0x0  }
0x12: {  	s1 =	sld [smem:$0x3F95];
	s0 =	simm.s32 @p0 $0x1  }
0x13: {  	[smem:$0x3FB0] =	sst s0;
	s0 =	simm.s32 @!p1 $0x0  }
0x14: {  	s2 =	sld [smem:$0x3F94];
	s0 =	simm.s32 @p1 $0x1  }
0x15: {  	[smem:$0x3FB1] =	sst s0;
	s0 =	simm.s32 @!p2 $0x0  }
0x16: {  	s3 =	sld [smem:$0x3FDB];
	s0 =	simm.s32 @p2 $0x1  }
0x17: {  	s4 =	simm.s32 $0x1BF5;
	[smem:$0x3FB3] =	sst s0  }
0x18: {  	s0 =	sld [smem:$0x3F96];
	_ =	swait.ge [sflag:s4], $0x0  }
0x19: {  	s7 =	sld [smem:$0x3F97]  }
0x1a: {  	s8 =	sadd.s32 $0xFFFFE003, lr  }
0x1b: {  	s9 =	sadd.s32 $0xFFFFFEF7, lr;
	s5 =	simm.s32 $0xFFFFFFFF;
	p2 =	slt.u32 s8, $0xFFFFF086  }
0x1c: {  	p1 =	slt.u32 s9, $0xF7A;
	s5 =	simm.s32 @!p2 $0x0  }
0x1d: {  	s5 =	simm.s32 @p1 $0x1;
	p0 =	seq.s32 s7, s2  }
0x1e: {  	s7 =	smul.u32 @!p0 $0xF7A, s2;
	p2 =	seq.s32 @!p0 s5, $0x0  }
0x1f: {  	s9 =	smul.u32 $0xF7A, s1;
	s8 =	simm.s32 @!p0 $0x1BF5;
	p2 =	por !p2, p0  }
0x20: {  	[sflag:s8] =	ssyncset.s32 @!p0 $0xFFFFF086;
	s6 =	sadd.s32 @!p0 s3, s7;
	s7 =	simm.s32 @!p0 $0x108  }
0x21: {  	s3 =	sadd.s32 s3, s9;
	s6 =	sadd.s32 @!p0 $0x88, s6;
	s7 =	simm.s32 @p2 $0x1082  }
0x22: {  	[simem:s7], [sflag:s8] =	dma.local @!p0 [hbm:s6], $0xF7A  }
0x23: {  	s9 =	sor.u32 $0xD0000000, s2;
	s6 =	simm.s32 $0x108;
	_ =	swait.ge @!p0 [sflag:s8], $0x0  }
0x24: {  	s3 =	sadd.s32 $0x88, s3;
	s6 =	simm.s32 @!p1 $0x1082;
	[sflag:s4] =	ssyncset.s32 $0xFFFFF086  }
0x25: {  	[simem:s6], [sflag:s4] =	dma.local [hbm:s3], $0xF7A  }
0x26: {  	[smem:$0x3F97] =	sst s1;
	(tag) =	ssettag s2;
	_ =	strace s9  }
0x27: {  	s1 =	sld [smem:$0x3FA7]  }
0x28: {  	s2 =	sld [smem:$0x3FA8]  }
0x29: {  	s4 =	sld [smem:$0x3FAA]  }
0x2a: {  	p0 =	seq.s32 s5, $0x0;
	s5 =	sld [smem:$0x3FAB]  }
0x2b: {  	s6 =	sld [smem:$0x3FAC]  }
0x2c: {  	s7 =	sld [smem:$0x3FAD]  }
0x2d: {  	s3 =	simm.s32 $0x108;
	s8 =	sld [smem:$0x3FAE]  }
0x2e: {  	s3 =	simm.s32 @!p0 $0x1082;
	s9 =	sld [smem:$0x3FAF]  }
0x2f: {  	lr =	sadd.s32 s0, s3;
	s0 =	sld [smem:$0x3FA6]  }
0x30: {  	s3 =	sld [smem:$0x3FA9]  }
0x31: {  	[smem:$0x3FB2] =	sst s10  }
0x32: {  	s10 =	sld [smem:$0x3FB0];
	_ =	sdelay $0x3  }
0x33: {  	p0 =	seq.s32 s10, $0x1;
	s10 =	sld [smem:$0x3FB2];
	_ =	sdelay $0x3  }
0x34: {  	[smem:$0x3FB2] =	sst s10  }
0x35: {  	s10 =	sld [smem:$0x3FB1];
	_ =	sdelay $0x3  }
0x36: {  	p1 =	seq.s32 s10, $0x1;
	s10 =	sld [smem:$0x3FB2];
	_ =	sdelay $0x3  }
0x37: {  	[smem:$0x3FB2] =	sst s10  }
0x38: {  	s10 =	sld [smem:$0x3FB3]  }
0x39: {  	_ = 	snop;
	(pc) =	sbr.ind lr, $3  }
0x3a: {  	_ = 	snop  }
0x3b: {  	_ = 	snop  }
0x3c: {  	p2 =	seq.s32 s10, $0x1;
	s10 =	sld [smem:$0x3FB2]  }
0x3d: {  	_ =	shalt  }
0x3e: {  	_ =	shalt  }
0x3f: {  	_ =	shalt  }
0x40: {  	_ =	shalt  }
0x41: {  	_ =	shalt  }
0x42: {  	_ =	shalt  }
0x43: {  	_ =	shalt  }
0x44: {  	_ =	shalt  }
0x45: {  	_ =	shalt  }
0x46: {  	_ =	shalt  }
0x47: {  	_ =	shalt  }
0x48: {  	_ =	shalt  }
0x49: {  	_ =	shalt  }
0x4a: {  	_ =	shalt  }
0x4b: {  	_ =	shalt  }
0x4c: {  	_ =	shalt  }
0x4d: {  	_ =	shalt  }
0x4e: {  	_ =	shalt  }
0x4f: {  	_ =	shalt  }
0x50: {  	_ =	shalt  }
0x51: {  	_ =	shalt  }
0x52: {  	_ =	shalt  }
0x53: {  	_ =	shalt  }
0x54: {  	_ =	shalt  }
0x55: {  	_ =	shalt  }
0x56: {  	_ =	shalt  }
0x57: {  	_ =	shalt  }
0x58: {  	_ =	shalt  }
0x59: {  	_ =	shalt  }
0x5a: {  	_ =	shalt  }
0x5b: {  	_ =	shalt  }
0x5c: {  	_ =	shalt  }
0x5d: {  	_ =	shalt  }
0x5e: {  	_ =	shalt  }
0x5f: {  	_ =	shalt  }
0x60: {  	_ =	shalt  }
0x61: {  	_ =	shalt  }
0x62: {  	_ =	shalt  }
0x63: {  	_ =	shalt  }
0x64: {  	_ =	shalt  }
0x65: {  	_ =	shalt  }
0x66: {  	_ =	shalt  }
0x67: {  	_ =	shalt  }
0x68: {  	_ =	shalt  }
0x69: {  	_ =	shalt  }
0x6a: {  	_ =	shalt  }
0x6b: {  	_ =	shalt  }
0x6c: {  	_ =	shalt  }
0x6d: {  	_ =	shalt  }
0x6e: {  	_ =	shalt  }
0x6f: {  	_ =	shalt  }
0x70: {  	_ =	shalt  }
0x71: {  	_ =	shalt  }
0x72: {  	_ =	shalt  }
0x73: {  	_ =	shalt  }
0x74: {  	_ =	shalt  }
0x75: {  	_ =	shalt  }
0x76: {  	_ =	shalt  }
0x77: {  	_ =	shalt  }
0x78: {  	_ =	shalt  }
0x79: {  	_ =	shalt  }
0x7a: {  	_ =	shalt  }
0x7b: {  	_ =	shalt  }
0x7c: {  	_ =	shalt  }
0x7d: {  	_ =	shalt  }
0x7e: {  	_ =	shalt  }
0x7f: {  	_ =	shalt  }
0x80: {  	_ =	shalt  }
0x81: {  	_ =	shalt  }
0x82: {  	_ =	shalt  }
0x83: {  	_ =	shalt  }
0x84: {  	_ =	shalt  }
0x85: {  	_ =	shalt  }
0x86: {  	_ =	shalt  }
0x87: {  	_ =	shalt  }
.Lfunc_end0:
.L_simem_size_0:
called_computation.1_lowered:
.L_overlay_start_0:
0x88: {  	s2 =	sld [smem:$0x3FD9]  }
0x89: {  	s3 =	sld [smem:$0x3FFE];
	_ =	sdelay $0x1  }
0x8a: {  	s1 =	srdreg.scid  }
0x8b: {  	s0 =	sand.u32 $0x1, s1  }
0x8c: {  	s16 =	sshll.u32 s0, $0xA;
	s2 =	sadd.s32 s3, s2  }
0x8d: {  	s2 =	sadd.s32 s2, s16  }
0x8e: {  	[smem:$0x3FBE] =	sst s2  }
0x8f: {  	_ = 	snop  }
0x90: {  	(tm) =	ssettm $0x1  }
0x91: {  	s17 =	sld [smem:$0x3FFB];
	_ =	sdelay $0x3  }
0x92: {  	_ =	strace s17  }
0x93: {  	s2 =	sld [smem:$0x3FFC];
	_ =	sdelay $0x3  }
0x94: {  	_ =	strace s2  }
0x95: {  	s2 =	sld [smem:$0x3FFD];
	_ =	sdelay $0x3  }
0x96: {  	_ =	strace s2  }
0x97: {  	_ =	strace $0x8FFFFFFF  }
0x98: {  	s18 =	sld [smem:$0x3FDB];
	_ =	sdelay $0x1  }
0x99: {  	s19 =	simm.s32 $_scs_section_size  }
0x9a: {  	s4 =	simm.s32 $_size__tile_overlayer_lowered;
	s5 =	simm.s32 $_tile_overlayer_lowered  }
0x9b: {  	s22 =	simm.s32 $0x1BFF;
	s21 =	sshll.u32 s5, $0x1;
	s2 =	sadd.s32 s19, s18  }
0x9c: {  	s6 =	simm.s32 $0x0;
	s20 =	sshll.u32 s4, $0x1;
	s4 =	sadd.s32 s21, s2  }
0x9d: {  	[timem:s6], [sflag:s22] =	dma.local [hbm:s4], s20  }
0x9e: {  	_ =	swait.ge [sflag:s22], s20  }
0x9f: {  	s3 =	ssub.s32 $0x0, s20;
	[sflag:s22] =	ssyncset.done $0x0  }
0xa0: {  	[sflag:s22] =	ssyncadd.s32 s3;
	_ =	sdelay $0x1  }
0xa1: {  	s23 =	simm.s32 $0x1B8B  }
0xa2: {  	_ =	swait.ge [sflag:s23], $0x1  }
0xa3: {  	[sflag:s23] =	ssyncset.done $0x0  }
0xa4: {  	s25 =	simm.s32 $0x1B8E;
	s24 =	sld [smem:$0x3FFE];
	[sflag:s23] =	ssyncadd.s32 $0xFFFFFFFF  }
0xa5: {  	s26 =	simm.s32 $execute0_lowered;
	[smem:$0x3FD2] =	sst s25  }
0xa6: {  	s4 =	sshll.u32 s26, $0x1;
	_ =	strace $0x80000049;
	[dreg:$0x1] =	wrdreg $0xFFFFFFFF  }
0xa7: {  	s28 =	simm.s32 $_size_execute0_lowered;
	s2 =	sadd.s32 s2, s4;
	[dreg:$0x0] =	wrdreg $0x0  }
0xa8: {  	s4 =	sshll.u32 s28, $0x1;
	[dreg:$0x2] =	wrdreg s2  }
0xa9: {  	[dreg:$0x3] =	wrdreg s4  }
0xaa: {  	[dreg:$0x4] =	wrdreg $0xC0  }
0xab: {  	_ =	task [dreg:s6], $0x5FFFF  }
0xac: {  	[dreg:$0x1] =	wrdreg $0xFFFFFFFF  }
0xad: {  	[dreg:$0x0] =	wrdreg $0x60  }
0xae: {  	[dreg:$0x2] =	wrdreg s24  }
0xaf: {  	[dreg:$0x3] =	wrdreg $0x0  }
0xb0: {  	[dreg:$0x4] =	wrdreg $0x9  }
0xb1: {  	_ =	task.clear_ibuf [dreg:s6], $0x5FFFF;
	_ =	strace $0x90000049  }
0xb2: {  	s29 =	simm.s32 $0x9;
	_ =	strace $0x8000004B  }
0xb3: {  	_ =	swait.ge [sflag:s29], $0x1  }
0xb4: {  	[sflag:s29] =	ssyncadd.s32 $0xFFFFFFFF  }
0xb5: {  	_ =	strace $0x9000004B  }
0xb6: {  	_ =	sfence  }
0xb7: {  	s30 =	sld [smem:$0x0];
	_ =	sdelay $0x2  }
0xb8: {  	s31 =	sshll.u32 s1, $0xD;
	s1 =	sshrl.u32 s1, $0x2  }
0xb9: {  	s3 =	sand.u32 $0x4000, s31;
	s1 =	sadd.s32 s1, s30  }
0xba: {  	s0 =	sor.u32 s3, s0;
	s1 =	sshll.u32 s1, $0x11  }
0xbb: {  	s0 =	sor.u32 s1, s0  }
0xbc: {  	s0 =	sadd.s32 $0x8F2B, s0  }
0xbd: {  	[sflag:s0] =	ssyncadd.remote.s32 $0x1  }
0xbe: {  	_ =	sfence.sel $0xFFFF  }
0xbf: {  	[dreg:$0x0] =	wrdreg $0xFFFFFFFF;
	(pc) =	sbr.abs _section_cstart, $3  }
0xc0: {  	[dreg:$0x1] =	wrdreg $0xFFFFFFFF  }
0xc1: {  	_ =	task.clear_ibuf [dreg:s6], $0x2FFFF;
	_ =	strace $0x9FFFFFFF  }
0xc2: {  	(tm) =	ssettm $0x7FFFFFFF  }
0xc3: {  	_ =	shalt  }
tec
execute0_lowered:
.L_overlay_start_1:
0x0: {  	(tag) =	ssettag $0x1  }
0x1: {  	s7 =	rddreg [dreg:$0x0]  }
0x2: {  	s2 =	rddreg [dreg:$0x1]  }
0x3: {  	s0 =	stileid.u32;
	s4 =	srdreg.scid;
	s1 =	simm.s32 $0x0  }
0x4: {  	s19 =	simm.s32 $0x3;
	s20 =	simm.s32 $0x80;
	s21 =	simm.s32 $0x14200  }
0x5: {  	s22 =	simm.s32 $0x1;
	s23 =	simm.s32 $0x5;
	s24 =	simm.s32 $0x0  }
0x6: {  	s8 =	smul.u32 $0x14000, s0;
	s13 =	sand.u32 $0x1, s4;
	[smem:$0x7FF] =	sst s1  }
0x7: {  	s4 =	sadd.s32 $0x48000, s7;
	s5 =	sadd.s32 $0x2400, s7;
	s6 =	sadd.s32 $0xC200, s7  }
0x8: {  	s10 =	smul.u32 $0x50000, s0;
	s11 =	sshll.u32 s0, $0x1;
	s28 =	sshll.u32 s0, $0x6  }
0x9: {  	s17 =	sshll.u32 s0, $0x8;
	s9 =	smul.u32 $0x140000, s13;
	_ =	strace $0x8000004A  }
0xa: {  	s25 =	ssub.s32 $0x2, s13;
	s11 =	sor.u32 s13, s11;
	s18 =	sshll.u32 s13, $0x7  }
0xb: {  	s26 =	sshrl.u32 s25, $0x1;
	s10 =	sshrl.u32 s10, $0x2;
	s29 =	ssub.s32 $0x9E3, s11  }
0xc: {  	s11 =	sshll.u32 s11, $0x4;
	s31 =	sor.u32 s18, s17;
	s17 =	simm.s32 $0x14000  }
0xd: {  	s18 =	simm.s32 $0x14100;
	s9 =	sadd.s32 s8, s9;
	s8 =	sshrl.u32 s8, $0x3  }
0xe: {  	s14 =	ssub.s32 s25, s26;
	s15 =	sadd.s32 s10, s2;
	s10 =	sadd.s32 s5, s11  }
0xf: {  	s11 =	sadd.s32 s6, s11;
	s9 =	sshrl.u32 s9, $0x3;
	s8 =	sadd.s32 s8, s7  }
0x10: {  	s13 =	smax.u32 s14, $0x1;
	s12 =	sadd.s32 s9, s7;
	s9 =	sshrl.u32 s29, $0x5  }
0x11: {  	s14 =	sor.u32 $0x1000, s31;
	s15 =	sshrl.u32 s15, $0x3;
	s16 =	sadd.s32 $0x1, s9  }
0x12: {  	s7 =	sadd.s32 $0x20000, s8;
	s8 =	sor.u32 $0x1C04, s28;
	s30 =	sand.u32 $0x5E, s16  }
0x13: {  	s12 =	sadd.s32 $0xE8800, s12;
	s16 =	simm.s32 $0x4;
	[dreg:$0x3] =	wrdreg s30  }
.LBB2_1:
0x14: {  	[spmem:s15], [sflag:s8] =	dma.local [hbm:s7], $0x2800  }
0x15: {  	_ =	swait.ge [sflag:s16], $0x2800  }
0x16: {  	[sflag:s16] =	ssyncset.done $0x0  }
0x17: {  	[sflag:s16] =	ssyncadd.s32 $0xFFFFD800  }
0x18: {  	s0 =	simm.s32 $0x0;
	[bflag:$0x0] =	sbarrier.arrive $0xFFFF  }
0x19: {  	[tilespmem:s17], [sflag:$0x3] =	stream.linear.gather [hbm4b:s10+s0], $0x80, $0x38;
	[tilespmem:$0x1C200] =	vst v63  }
0x1a: {  	_ = 	snop  }
0x1b: {  	[tilespmem:s18], [sflag:$0x3] =	stream.linear.gather [hbm4b:s11+s0], $0x80, $0x38;
	[tilespmem:$0x1C200] =	vst v63  }
0x1c: {  	_ =	swait.ge [sflag:s19], $0x80  }
0x1d: {  	[sflag:s19] =	ssyncset.done $0x0  }
0x1e: {  	[sflag:s19] =	ssyncadd.s32 $0xFFFFFF80  }
0x1f: {  	_ =	swait.ge [sflag:s19], $0x80  }
0x20: {  	[sflag:s19] =	ssyncset.done $0x0  }
0x21: {  	s25 =	smov.u32 s14;
	s26 =	simm.s32 $0x0;
	[sflag:s19] =	ssyncadd.s32 $0xFFFFFF80  }
0x22: {  	[tilespmem:s21], [sflag:$0x1] =	stream.indirect.gather [hbm4b:s4+s20], $0x80, s17, s20, $0xb8;
	[tilespmem:$0x1C200] =	vst v63  }
.LBB2_2:
0x23: {  	s28 =	sadd.s32 $0x1, s26  }
0x24: {  	p0 =	sge.u32 s28, s9  }
0x25: {  	s28 =	sshrl.u32 @!p0 s25, $0x3  }
0x26: {  	s30 =	simm.s32 @!p0 $0x0;
	s31 =	simm.s32 @!p0 $0x14080;
	s29 =	sadd.s32 @!p0 s5, s28  }
0x27: {  	[tilespmem:s31], [sflag:$0x3] =	stream.linear.gather @!p0 [hbm4b:s29+s30], $0x80, $0x38;
	[tilespmem:$0x1C200] =	vst v63  }
0x28: {  	s28 =	sadd.s32 @!p0 s6, s28;
	s29 =	simm.s32 @!p0 $0x14180  }
0x29: {  	[tilespmem:s29], [sflag:$0x3] =	stream.linear.gather @!p0 [hbm4b:s28+s30], $0x80, $0x38;
	[tilespmem:$0x1C200] =	vst v63  }
0x2a: {  	s28 =	simm.s32 @!p0 $0x3  }
0x2b: {  	_ =	swait.ge @!p0 [sflag:s28], $0x80  }
0x2c: {  	[sflag:s28] =	ssyncset.done @!p0 $0x0  }
0x2d: {  	[sflag:s28] =	ssyncadd.s32 @!p0 $0xFFFFFF80  }
0x2e: {  	_ =	swait.ge @!p0 [sflag:s28], $0x80  }
0x2f: {  	[sflag:s28] =	ssyncset.done @!p0 $0x0  }
0x30: {  	s30 =	simm.s32 @!p0 $0x18200;
	[sflag:s28] =	ssyncadd.s32 @!p0 $0xFFFFFF80;
	s28 =	simm.s32 @!p0 $0x80  }
0x31: {  	[tilespmem:s30], [sflag:$0x2] =	stream.indirect.gather @!p0 [hbm4b:s4+s28], $0x80, s31, s28, $0xb8;
	[tilespmem:$0x1C200] =	vst v63  }
0x32: {  	_ =	swait.ge [sflag:s22], $0x4000  }
0x33: {  	s26 =	sadd.s32 $0x2, s26;
	[sflag:s22] =	ssyncset.done $0x0  }
0x34: {  	p1 =	sge.u32 s26, s9;
	[sflag:s22] =	ssyncadd.s32 $0xFFFFC000  }
0x35: {  	[spmem:s2] =	stream.indirect.scatter.add.f32 [tilespmem:s21], [sflag:$0x5], $0x80, s18, s20, $0xb8;
	[tilespmem:$0x1C200] =	vst v63  }
0x36: {  	s31 =	sadd.s32 @!p1 $0x1000, s25;
	_ =	swait.ge [sflag:s23], $0x4000  }
0x37: {  	s1 =	simm.s32 @!p1 $0x0;
	s31 =	sshrl.u32 @!p1 s31, $0x3;
	[sflag:s23] =	ssyncset.done $0x0  }
0x38: {  	s3 =	simm.s32 @!p1 $0x14000;
	s0 =	sadd.s32 @!p1 s5, s31;
	[sflag:s23] =	ssyncadd.s32 $0xFFFFC000  }
0x39: {  	[tilespmem:s3], [sflag:$0x3] =	stream.linear.gather @!p1 [hbm4b:s0+s1], $0x80, $0x38;
	[tilespmem:$0x1C200] =	vst v63  }
0x3a: {  	s0 =	sadd.s32 @!p1 s6, s31;
	s31 =	simm.s32 @!p1 $0x14100  }
0x3b: {  	[tilespmem:s31], [sflag:$0x3] =	stream.linear.gather @!p1 [hbm4b:s0+s1], $0x80, $0x38;
	[tilespmem:$0x1C200] =	vst v63  }
0x3c: {  	s0 =	simm.s32 @!p1 $0x3  }
0x3d: {  	_ =	swait.ge @!p1 [sflag:s0], $0x80  }
0x3e: {  	[sflag:s0] =	ssyncset.done @!p1 $0x0  }
0x3f: {  	[sflag:s0] =	ssyncadd.s32 @!p1 $0xFFFFFF80  }
0x40: {  	_ =	swait.ge @!p1 [sflag:s0], $0x80  }
0x41: {  	[sflag:s0] =	ssyncset.done @!p1 $0x0  }
0x42: {  	s1 =	simm.s32 @!p1 $0x14200;
	[sflag:s0] =	ssyncadd.s32 @!p1 $0xFFFFFF80;
	s0 =	simm.s32 @!p1 $0x80  }
0x43: {  	[tilespmem:s1], [sflag:$0x1] =	stream.indirect.gather @!p1 [hbm4b:s4+s0], $0x80, s3, s0, $0xb8;
	[tilespmem:$0x1C200] =	vst v63  }
0x44: {  	s0 =	simm.s32 @!p0 $0x2  }
0x45: {  	_ =	swait.ge @!p0 [sflag:s0], $0x4000  }
0x46: {  	[sflag:s0] =	ssyncset.done @!p0 $0x0  }
0x47: {  	[sflag:s0] =	ssyncadd.s32 @!p0 $0xFFFFC000;
	s0 =	simm.s32 @!p0 $0x4  }
0x48: {  	[spmem:s2] =	stream.indirect.scatter.add.f32 @!p0 [tilespmem:s30], [sflag:$0x4], $0x80, s29, s28, $0xb8;
	[tilespmem:$0x1C200] =	vst v63  }
0x49: {  	_ =	swait.ge @!p0 [sflag:s0], $0x4000  }
0x4a: {  	s31 =	rddreg [dreg:$0x3]  }
0x4b: {  	p1 =	sne.s32 s31, s26  }
.Ltmp0:
0x4c: {  	_ = 	snop;
	(pc) =	sbr.rel @p1 .LBB2_2-.Ltmp0, $3  }
0x4d: {  	_ =	sdelay $0x1  }
0x4e: {  	[sflag:s0] =	ssyncset.done @!p0 $0x0  }
0x4f: {  	s25 =	sadd.s32 $0x2000, s25;
	[sflag:s0] =	ssyncadd.s32 @!p0 $0xFFFFC000  }
0x50: {  	s24 =	sadd.s32 $0x1, s24  }
0x51: {  	p0 =	sne.s32 s24, s13  }
.Ltmp1:
0x52: {  	[bflag:$0x0] =	sbarrier.arrive $0xFFFF;
	(pc) =	sbr.rel @p0 .LBB2_1-.Ltmp1, $4  }
0x53: {  	[hbm:s12], [sflag:s8] =	dma.local [spmem:s15], $0x2800  }
0x54: {  	_ =	swait.ge [sflag:s16], $0x2800  }
0x55: {  	[sflag:s16] =	ssyncset.done $0x0  }
0x56: {  	[sflag:s16] =	ssyncadd.s32 $0xFFFFD800  }
0x57: {  	_ =	sfence.sel $0x180000  }
0x58: {  	[bflag:$0x0] =	sbarrier.arrive $0xFFFF  }
0x59: {  	_ =	strace $0x9000004A  }
0x5a: {  	s0 =	stileid.u32;
	[bflag:$0x2] =	sbarrier.arrive $0xFFFF  }
0x5b: {  	p0 =	sne.s32 s0, $0x0;
	s0 =	rddreg [dreg:$0x2]  }
0x5c: {  	s0 =	sadd.s32 @!p0 $0x100000, s0  }
0x5d: {  	[sflag:s0] =	ssyncadd.tile.s32 @!p0 $0x1;
	_ =	shalt  }
.Lfunc_end2:
_tile_overlayer_lowered:
.L_overlay_start_2:
0x5e: {  	(tag) =	ssettag $0x2  }
0x5f: {  	s0 =	rddreg [dreg:$0x0];
	s2 =	stileid.u32  }
0x60: {  	s1 =	rddreg [dreg:$0x1];
	p0 =	sne.s32 s2, $0x0  }
0x61: {  	s3 =	rddreg [dreg:$0x2];
	[bflag:$0x3] =	sbarrier.arrive $0xFFFF;
	s2 =	simm.s32 @!p0 $0x1C04  }
0x62: {  	[timem:s3], [sflag:s2] =	dma.local @!p0 [hbm:s0], s1  }
0x63: {  	s0 =	simm.s32 @!p0 $0x4  }
0x64: {  	_ =	swait.ge @!p0 [sflag:s0], s1  }
0x65: {  	s1 =	ssub.s32 @!p0 $0x0, s1;
	[sflag:s0] =	ssyncset.done @!p0 $0x0  }
0x66: {  	[sflag:s0] =	ssyncadd.s32 @!p0 s1  }
0x67: {  	[bflag:$0x3] =	sbarrier.arrive $0xFFFF  }
0x68: {  	_ =	shalt  }

</sc_bundles>
